<compile_context>
chip_gen: v7x
topology: tpu7x:2x2x1
jax: 0.10.2.dev20260603
libtpu: 0.0.44.dev20260713+nightly
codegen_flags: <defaults>
</compile_context>

<pallas_src>
import functools

import numpy as np
import jax
import jax.numpy as jnp
from jax import lax
from jax.experimental import pallas as pl
from jax.experimental.pallas import tpu as pltpu
from jax.experimental.pallas import tpu_sc as plsc

NPAD = 512
NREAL = 491
N0 = 490
F32 = jnp.float32


def _build_count_sc(edge_index):
    ecnt = edge_index.shape[1]
    rows_w = NPAD // 32
    mesh = plsc.VectorSubcoreMesh(core_axis_name="c", subcore_axis_name="s")

    @functools.partial(
        pl.kernel,
        out_type=jax.ShapeDtypeStruct((NPAD * NPAD,), F32),
        mesh=mesh,
        compiler_params=pltpu.CompilerParams(needs_layout_passes=False),
        scratch_types=[
            pltpu.VMEM((ecnt,), jnp.int32),
            pltpu.VMEM((ecnt,), jnp.int32),
            pltpu.VMEM((rows_w * NPAD,), F32),
        ],
    )
    def count_kernel(edge_hbm, out_hbm, src_v, dst_v, hist):
        wid = lax.axis_index("s") * 2 + lax.axis_index("c")
        lo = wid * rows_w
        pltpu.sync_copy(edge_hbm.at[0], src_v)
        pltpu.sync_copy(edge_hbm.at[1], dst_v)

        def zero_body(i, _):
            hist[pl.ds(pl.multiple_of(i * 16, 16), 16)] = jnp.zeros((16,), F32)
            return 0

        lax.fori_loop(0, rows_w * NPAD // 16, zero_body, 0)

        def edge_body(i, _):
            off = pl.multiple_of(i * 16, 16)
            d = dst_v[pl.ds(off, 16)]
            s = src_v[pl.ds(off, 16)]
            rel = d - lo
            mask = (rel >= 0) & (rel < rows_w)
            idx = jnp.where(mask, rel * NPAD + s, 0)
            plsc.addupdate_scatter(hist, [idx], jnp.where(mask, 1.0, 0.0))
            return 0

        lax.fori_loop(0, ecnt // 16, edge_body, 0)
        pltpu.sync_copy(hist, out_hbm.at[pl.ds(lo * NPAD, rows_w * NPAD)])

    cnt = count_kernel(edge_index).reshape(NPAD, NPAD)
    return pl.pallas_call(
        lambda c_ref, o_ref: o_ref.__setitem__(
            ..., jnp.where(c_ref[...] > 0, jnp.log(c_ref[...]), -1e30)),
        out_shape=jax.ShapeDtypeStruct((NPAD, NPAD), F32),
    )(cnt)


def _conv_layer(h, logcnt, wall, ball, c):
    qkvs = jnp.dot(h, wall, preferred_element_type=F32) + ball
    q = qkvs[:, 0:c]
    k = qkvs[:, c:2 * c]
    v = qkvs[:, 2 * c:3 * c]
    root = qkvs[:, 3 * c:4 * c]
    s = jax.lax.dot_general(q, k, (((1,), (1,)), ((), ())),
                            preferred_element_type=F32) * (1.0 / np.sqrt(c))
    t = s + logcnt
    amax = jnp.maximum(jnp.max(t, axis=1, keepdims=True), -1e29)
    ex = jnp.exp(t - amax)
    denom = jnp.sum(ex, axis=1, keepdims=True)
    agg = jnp.dot(ex, v, preferred_element_type=F32) / (denom + 1e-16)
    return agg + root


def _lrelu(z):
    return jnp.where(z >= 0, z, 0.2 * z)


def _conv_body(x_ref, vk_ref, cnt_ref, pos_ref,
               w1t_ref, w1b_ref, w2t_ref, w2b_ref,
               t11_ref, t12_ref, t21_ref, t22_ref,
               out_ref, h0_ref):
    logcnt = cnt_ref[...]
    pos = pos_ref[...]
    vk = vk_ref[0]

    def path(p, vwt_ref, vwb_ref, ta_ref, tb_ref):
        h0_ref[...] = jnp.zeros_like(h0_ref)
        h0_ref[0:N0, :] = x_ref[0, p] + pos
        vrow = (jnp.dot(vk, vwt_ref[...], preferred_element_type=F32)
                + vwb_ref[...] + pos)
        h0_ref[N0:NREAL, :] = vrow
        h = h0_ref[...]

        h = _lrelu(_conv_layer(h, logcnt, ta_ref[0:128, :],
                               ta_ref[128:129, :], 64))
        h = _conv_layer(h, logcnt, tb_ref[0:64, :], tb_ref[64:65, :], 32)
        out_ref[0, p] = h[0:NREAL, :]

    path(0, w1t_ref, w1b_ref, t11_ref, t12_ref)
    path(1, w2t_ref, w2b_ref, t21_ref, t22_ref)


def _pack_tconv(qw, qb, kw, kb, vw, vb, sw, sb):
    wt = jnp.concatenate([qw.T, kw.T, vw.T, sw.T], axis=1)
    bias = jnp.concatenate([qb, kb, vb, sb])[None, :]
    return jnp.concatenate([wt, bias], axis=0)


def _run_convs(x, vk_data, cnt, pos_enc, w1t, w1b, w2t, w2b,
               t11, t12, t21, t22):
    b = x.shape[0]
    grid = (b,)
    spec0 = lambda shape: pl.BlockSpec(shape, lambda i: tuple(0 for _ in shape))
    return pl.pallas_call(
        _conv_body,
        grid=grid,
        in_specs=[
            pl.BlockSpec((1, 2, N0, 128), lambda i: (i, 0, 0, 0)),
            pl.BlockSpec((1, 1, 64), lambda i: (i, 0, 0)),
            spec0((NPAD, NPAD)),
            spec0((1, 128)),
            spec0((64, 128)), spec0((1, 128)),
            spec0((64, 128)), spec0((1, 128)),
            spec0((129, 256)), spec0((65, 128)),
            spec0((129, 256)), spec0((65, 128)),
        ],
        out_specs=pl.BlockSpec((1, 2, NREAL, 32), lambda i: (i, 0, 0, 0)),
        out_shape=jax.ShapeDtypeStruct((b, 2, NREAL, 32), F32),
        scratch_shapes=[pltpu.VMEM((NPAD, 128), F32)],
        compiler_params=pltpu.CompilerParams(
            dimension_semantics=("parallel",)),
    )(x, vk_data[:, None, :], cnt, pos_enc, w1t, w1b, w2t, w2b,
      t11, t12, t21, t22)


def _mlp_body(h_ref, w1_ref, b1_ref, w2_ref, b2_ref, out_ref):
    z = jax.lax.dot_general(h_ref[...], w1_ref[...], (((1,), (1,)), ((), ())),
                            preferred_element_type=F32) + b1_ref[...]
    z = _lrelu(z)
    out_ref[...] = (jnp.sum(z * w2_ref[...], axis=1, keepdims=True)
                    + b2_ref[...])


def _run_mlp(hflat, fc1_w, fc1_b, fc2_w, fc2_b):
    b, kdim = hflat.shape
    bt = 32
    spec0 = lambda shape: pl.BlockSpec(shape, lambda i: tuple(0 for _ in shape))
    return pl.pallas_call(
        _mlp_body,
        grid=(b // bt,),
        in_specs=[
            pl.BlockSpec((bt, kdim), lambda i: (i, 0)),
            spec0((100, kdim)),
            spec0((1, 100)),
            spec0((1, 100)),
            spec0((1, 1)),
        ],
        out_specs=pl.BlockSpec((bt, 1), lambda i: (i, 0)),
        out_shape=jax.ShapeDtypeStruct((b, 1), F32),
        compiler_params=pltpu.CompilerParams(
            dimension_semantics=("parallel",)),
    )(hflat, fc1_w, fc1_b[None, :], fc2_w, fc2_b[None, :])


def kernel(x, vk_data, edge_index, W1_w, W1_b, W2_w, W2_b, pos_enc,
           t11_qw, t11_qb, t11_kw, t11_kb, t11_vw, t11_vb, t11_sw, t11_sb,
           t12_qw, t12_qb, t12_kw, t12_kb, t12_vw, t12_vb, t12_sw, t12_sb,
           t21_qw, t21_qb, t21_kw, t21_kb, t21_vw, t21_vb, t21_sw, t21_sb,
           t22_qw, t22_qb, t22_kw, t22_kb, t22_vw, t22_vb, t22_sw, t22_sb,
           fc1_w, fc1_b, fc2_w, fc2_b):
    cnt = _build_count_sc(edge_index)
    t11 = _pack_tconv(t11_qw, t11_qb, t11_kw, t11_kb, t11_vw, t11_vb, t11_sw, t11_sb)
    t12 = _pack_tconv(t12_qw, t12_qb, t12_kw, t12_kb, t12_vw, t12_vb, t12_sw, t12_sb)
    t21 = _pack_tconv(t21_qw, t21_qb, t21_kw, t21_kb, t21_vw, t21_vb, t21_sw, t21_sb)
    t22 = _pack_tconv(t22_qw, t22_qb, t22_kw, t22_kb, t22_vw, t22_vb, t22_sw, t22_sb)
    h = _run_convs(x, vk_data, cnt, pos_enc,
                   W1_w.T, W1_b[None, :], W2_w.T, W2_b[None, :],
                   t11, t12, t21, t22)
    hflat = h.reshape(x.shape[0], -1)
    return _run_mlp(hflat, fc1_w, fc1_b, fc2_w, fc2_b)

# --- scband reference (transcript-rebuilt; emitter-appended) ---
"""Pipeline reference for scband-gcndp4-31044023616332 (READ-ONLY COPY).

The authoritative reference and input builder live on the scoring server;
editing this copy changes nothing except your own understanding.
"""

import jax, jax.numpy as jnp
import numpy as np

B = 256
N0 = 490
N = 491
F = 128
VK = 64
E = 12000

FLOAT_NAMES = (["x", "vk_data", "W1_w", "W1_b", "W2_w", "W2_b", "pos_enc"]
               + ["%s_%s%s" % (p, s, t) for p in ["t11", "t12", "t21", "t22"] for s in ["q", "k", "v", "s"] for t in ["w", "b"]]
               + ["fc1_w", "fc1_b", "fc2_w", "fc2_b"])


def setup_inputs(seed: int = 0):
    key = jax.random.key(seed)
    ctr = [0]

    def nk():
        ctr[0] += 1
        return jax.random.fold_in(key, ctr[0])

    def lin(out_d, in_d):
        w = jax.random.normal(nk(), (out_d, in_d), jnp.float32) / np.sqrt(in_d)
        b = jax.random.normal(nk(), (out_d,), jnp.float32) * 0.01
        return w, b

    inp = {}
    inp["x"] = jax.random.normal(nk(), (B, 2, N0, F), jnp.float32)
    inp["vk_data"] = jax.random.normal(nk(), (B, VK), jnp.float32)
    # edge_index derived from adj.nonzero() in the torch module; here generated directly
    inp["edge_index"] = jax.random.randint(nk(), (2, E), 0, N, dtype=jnp.int32)
    inp["W1_w"], inp["W1_b"] = lin(F, VK)
    inp["W2_w"], inp["W2_b"] = lin(F, VK)
    inp["pos_enc"] = jax.random.normal(nk(), (1, F), jnp.float32)
    for pre, din, dout in [("t11", F, 64), ("t12", 64, 32), ("t21", F, 64), ("t22", 64, 32)]:
        for s in ["q", "k", "v", "s"]:
            w, b = lin(dout, din)
            inp[pre + "_" + s + "w"] = w
            inp[pre + "_" + s + "b"] = b
    inp["fc1_w"], inp["fc1_b"] = lin(100, 2 * 32 * N)
    inp["fc2_w"], inp["fc2_b"] = lin(1, 100)
    return inp


def _lrelu(z):
    return jnp.where(z >= 0, z, 0.2 * z)


def _tconv(h, src, dst, num_nodes, qw, qb, kw, kb, vw, vb, sw, sb):
    # PyG TransformerConv, heads=1, concat=True, root_weight=True, eval mode (dropout off)
    C = qw.shape[0]
    q = h @ qw.T + qb
    k = h @ kw.T + kb
    v = h @ vw.T + vb
    alpha = jnp.sum(q[dst] * k[src], axis=-1) / np.sqrt(C)
    amax = jax.lax.stop_gradient(jax.ops.segment_max(alpha, dst, num_segments=num_nodes))
    amax = jnp.where(jnp.isfinite(amax), amax, 0.0)
    ex = jnp.exp(alpha - amax[dst])
    denom = jax.ops.segment_sum(ex, dst, num_segments=num_nodes)
    a = ex / (denom[dst] + 1e-16)
    agg = jax.ops.segment_sum(v[src] * a[:, None], dst, num_segments=num_nodes)
    return agg + h @ sw.T + sb


def _forward(fd, edge_index):
    x = fd["x"]
    Bb, _, _, Ff = x.shape
    x1 = x[:, 0]
    x2 = x[:, 1]
    v1 = (fd["vk_data"] @ fd["W1_w"].T + fd["W1_b"])[:, None, :]
    v2 = (fd["vk_data"] @ fd["W2_w"].T + fd["W2_b"])[:, None, :]
    x1 = jnp.concatenate([x1, v1], axis=1) + fd["pos_enc"]
    x2 = jnp.concatenate([x2, v2], axis=1) + fd["pos_enc"]
    Nn = x1.shape[1]
    x1 = x1.reshape(-1, Ff)
    x2 = x2.reshape(-1, Ff)
    offsets = jnp.arange(Bb, dtype=edge_index.dtype) * Nn
    ee = (edge_index[:, None, :] + offsets[None, :, None]).reshape(2, -1)
    src, dst = ee[0], ee[1]
    nn = Bb * Nn

    def conv(h, pre):
        return _tconv(h, src, dst, nn,
                      fd[pre + "_qw"], fd[pre + "_qb"], fd[pre + "_kw"], fd[pre + "_kb"],
                      fd[pre + "_vw"], fd[pre + "_vb"], fd[pre + "_sw"], fd[pre + "_sb"])

    h1 = _lrelu(conv(x1, "t11"))
    h1 = conv(h1, "t12").reshape(Bb, Nn, -1)
    h2 = _lrelu(conv(x2, "t21"))
    h2 = conv(h2, "t22").reshape(Bb, Nn, -1)
    h = jnp.concatenate([h1, h2], axis=1).reshape(Bb, -1)
    h = _lrelu(h @ fd["fc1_w"].T + fd["fc1_b"])
    return h @ fd["fc2_w"].T + fd["fc2_b"]


def reference(x, vk_data, edge_index, W1_w, W1_b, W2_w, W2_b, pos_enc,
              t11_qw, t11_qb, t11_kw, t11_kb, t11_vw, t11_vb, t11_sw, t11_sb,
              t12_qw, t12_qb, t12_kw, t12_kb, t12_vw, t12_vb, t12_sw, t12_sb,
              t21_qw, t21_qb, t21_kw, t21_kb, t21_vw, t21_vb, t21_sw, t21_sb,
              t22_qw, t22_qb, t22_kw, t22_kb, t22_vw, t22_vb, t22_sw, t22_sb,
              fc1_w, fc1_b, fc2_w, fc2_b):
    kw = dict(locals())
    fd = {n: kw[n] for n in FLOAT_NAMES}
    return _forward(fd, edge_index)

if __name__ == "__main__":
    import jax
    _d = setup_inputs()
    print(jax.jit(kernel)(*tuple(_d.values())))

</pallas_src>

<mosaic_0001>
#map = affine_map<(d0, d1) -> (0, 0)>
#map1 = affine_map<(d0, d1) -> (0)>
module attributes {stable_mosaic.version = 14 : i64} {
  func.func @count_kernel(%arg0: i32, %arg1: i32, %arg2: memref<2x12000xi32, #tpu.memory_space<hbm>>, %arg3: memref<262144xf32, #tpu.memory_space<hbm>>, %arg4: memref<12000xi32, #tpu.memory_space<vmem>>, %arg5: memref<12000xi32, #tpu.memory_space<vmem>>, %arg6: memref<8192xf32, #tpu.memory_space<vmem>>) attributes {dimension_semantics = [#tpu.dimension_semantics<core_parallel>, #tpu.dimension_semantics<subcore_parallel>], iteration_bounds = array<i64: 2, 16>, scalar_prefetch = 0 : i64, scratch_operands = 3 : i64, tpu.core_type = #tpu.core_type<sc_vector_subcore>, window_params = [{transform_indices = #map}, {transform_indices = #map1}]} {
    %mul3A = arith.constant 2 : i32
    %mul3A_0 = arith.muli %arg1, %mul3A : i32
    %add3A = arith.addi %mul3A_0, %arg0 : i32
    %mul3A_1 = arith.constant 16 : i32
    %mul3A_2 = arith.muli %add3A, %mul3A_1 : i32
    %run_scoped3A = arith.constant 0 : i32
    "tpu.region"() ({
      %run_scoped3A_19 = tpu.sem_alloc : memref<!tpu.dma_semaphore, #tpu.memory_space<semaphore_mem>>
      %dma_start3A = arith.constant 0 : i32
      %dma_start3A_20 = tpu.memref_slice %arg2[%run_scoped3A, %dma_start3A] : memref<2x12000xi32, #tpu.memory_space<hbm>> -> memref<1x12000xi32, #tpu.memory_space<hbm>>
      %dma_start3A_21 = tpu.memref_squeeze %dma_start3A_20 : memref<1x12000xi32, #tpu.memory_space<hbm>> -> memref<12000xi32, #tpu.memory_space<hbm>>
      %dma_start3A_22 = arith.constant 0 : i32
      %dma_start3A_23 = tpu.memref_slice %arg2[%run_scoped3A, %dma_start3A_22] : memref<2x12000xi32, #tpu.memory_space<hbm>> -> memref<1x12000xi32, #tpu.memory_space<hbm>>
      %dma_start3A_24 = tpu.memref_squeeze %dma_start3A_23 : memref<1x12000xi32, #tpu.memory_space<hbm>> -> memref<12000xi32, #tpu.memory_space<hbm>>
      tpu.enqueue_dma source(%dma_start3A_24 : memref<12000xi32, #tpu.memory_space<hbm>>) target(%arg4 : memref<12000xi32, #tpu.memory_space<vmem>>) target_semaphore(%run_scoped3A_19 : memref<!tpu.dma_semaphore, #tpu.memory_space<semaphore_mem>>)
      %dma_wait3A = arith.constant 0 : i32
      %dma_wait3A_25 = tpu.memref_slice %arg2[%run_scoped3A, %dma_wait3A] : memref<2x12000xi32, #tpu.memory_space<hbm>> -> memref<1x12000xi32, #tpu.memory_space<hbm>>
      %dma_wait3A_26 = tpu.memref_squeeze %dma_wait3A_25 : memref<1x12000xi32, #tpu.memory_space<hbm>> -> memref<12000xi32, #tpu.memory_space<hbm>>
      %dma_wait3A_27 = arith.constant 0 : i32
      %dma_wait3A_28 = tpu.memref_slice %arg2[%run_scoped3A, %dma_wait3A_27] : memref<2x12000xi32, #tpu.memory_space<hbm>> -> memref<1x12000xi32, #tpu.memory_space<hbm>>
      %dma_wait3A_29 = tpu.memref_squeeze %dma_wait3A_28 : memref<1x12000xi32, #tpu.memory_space<hbm>> -> memref<12000xi32, #tpu.memory_space<hbm>>
      tpu.wait_dma2 semaphore(%run_scoped3A_19 : memref<!tpu.dma_semaphore, #tpu.memory_space<semaphore_mem>>) src(%dma_wait3A_29 : memref<12000xi32, #tpu.memory_space<hbm>>) dst(%arg4 : memref<12000xi32, #tpu.memory_space<vmem>>)
      tpu.yield
    }) : () -> ()
    %run_scoped3A_3 = arith.constant 1 : i32
    "tpu.region"() ({
      %run_scoped3A_19 = tpu.sem_alloc : memref<!tpu.dma_semaphore, #tpu.memory_space<semaphore_mem>>
      %dma_start3A = arith.constant 0 : i32
      %dma_start3A_20 = tpu.memref_slice %arg2[%run_scoped3A_3, %dma_start3A] : memref<2x12000xi32, #tpu.memory_space<hbm>> -> memref<1x12000xi32, #tpu.memory_space<hbm>>
      %dma_start3A_21 = tpu.memref_squeeze %dma_start3A_20 : memref<1x12000xi32, #tpu.memory_space<hbm>> -> memref<12000xi32, #tpu.memory_space<hbm>>
      %dma_start3A_22 = arith.constant 0 : i32
      %dma_start3A_23 = tpu.memref_slice %arg2[%run_scoped3A_3, %dma_start3A_22] : memref<2x12000xi32, #tpu.memory_space<hbm>> -> memref<1x12000xi32, #tpu.memory_space<hbm>>
      %dma_start3A_24 = tpu.memref_squeeze %dma_start3A_23 : memref<1x12000xi32, #tpu.memory_space<hbm>> -> memref<12000xi32, #tpu.memory_space<hbm>>
      tpu.enqueue_dma source(%dma_start3A_24 : memref<12000xi32, #tpu.memory_space<hbm>>) target(%arg5 : memref<12000xi32, #tpu.memory_space<vmem>>) target_semaphore(%run_scoped3A_19 : memref<!tpu.dma_semaphore, #tpu.memory_space<semaphore_mem>>)
      %dma_wait3A = arith.constant 0 : i32
      %dma_wait3A_25 = tpu.memref_slice %arg2[%run_scoped3A_3, %dma_wait3A] : memref<2x12000xi32, #tpu.memory_space<hbm>> -> memref<1x12000xi32, #tpu.memory_space<hbm>>
      %dma_wait3A_26 = tpu.memref_squeeze %dma_wait3A_25 : memref<1x12000xi32, #tpu.memory_space<hbm>> -> memref<12000xi32, #tpu.memory_space<hbm>>
      %dma_wait3A_27 = arith.constant 0 : i32
      %dma_wait3A_28 = tpu.memref_slice %arg2[%run_scoped3A_3, %dma_wait3A_27] : memref<2x12000xi32, #tpu.memory_space<hbm>> -> memref<1x12000xi32, #tpu.memory_space<hbm>>
      %dma_wait3A_29 = tpu.memref_squeeze %dma_wait3A_28 : memref<1x12000xi32, #tpu.memory_space<hbm>> -> memref<12000xi32, #tpu.memory_space<hbm>>
      tpu.wait_dma2 semaphore(%run_scoped3A_19 : memref<!tpu.dma_semaphore, #tpu.memory_space<semaphore_mem>>) src(%dma_wait3A_29 : memref<12000xi32, #tpu.memory_space<hbm>>) dst(%arg5 : memref<12000xi32, #tpu.memory_space<vmem>>)
      tpu.yield
    }) : () -> ()
    %scan3A = arith.constant 0 : i32
    %scan3A_4 = arith.constant 0 : i32
    %scan3A_5 = arith.constant 512 : i32
    %scan3A_6 = arith.addi %scan3A_4, %scan3A_5 : i32
    %scan3A_7 = arith.constant 1 : i32
    %scan3A_8 = scf.for %scan3A_19 = %scan3A_4 to %scan3A_6 step %scan3A_7 iter_args(%scan3A_20 = %scan3A) -> (i32)  : i32 {
      %broadcast_in_dim3A = arith.constant 0.000000e+00 : f32
      %broadcast_in_dim3A_21 = vector.broadcast %broadcast_in_dim3A : f32 to vector<16xf32>
      %mul3A_22 = arith.constant 16 : i32
      %mul3A_23 = arith.muli %scan3A_19, %mul3A_22 : i32
      %multiple_of3A = tpu.assume_multiple %mul3A_23, 16 : i32
      %swap3A = arith.index_cast %multiple_of3A : i32 to index
      %swap3A_24 = tpu.vector_load %arg6[%swap3A] {strides = array<i32>} : memref<8192xf32, #tpu.memory_space<vmem>>, vector<16xf32>,
      tpu.vector_store %arg6[%swap3A], %broadcast_in_dim3A_21 {strides = array<i32>} : memref<8192xf32, #tpu.memory_space<vmem>>, vector<16xf32>,
      %scan3A_25 = arith.constant 0 : i32
      scf.yield %scan3A_25 : i32
    }
    %scan3A_9 = arith.constant 512 : i32
    %scan3A_10 = arith.constant 0 : i32
    %scan3A_11 = arith.constant 0 : i32
    %scan3A_12 = arith.constant 750 : i32
    %scan3A_13 = arith.addi %scan3A_11, %scan3A_12 : i32
    %scan3A_14 = arith.constant 1 : i32
    %scan3A_15 = scf.for %scan3A_19 = %scan3A_11 to %scan3A_13 step %scan3A_14 iter_args(%scan3A_20 = %scan3A_10) -> (i32)  : i32 {
      %mul3A_21 = arith.constant 16 : i32
      %mul3A_22 = arith.muli %scan3A_19, %mul3A_21 : i32
      %multiple_of3A = tpu.assume_multiple %mul3A_22, 16 : i32
      %get3A = arith.index_cast %multiple_of3A : i32 to index
      %get3A_23 = tpu.vector_load %arg5[%get3A] {strides = array<i32>} : memref<12000xi32, #tpu.memory_space<vmem>>, vector<16xi32>,
      %get3A_24 = arith.index_cast %multiple_of3A : i32 to index
      %get3A_25 = tpu.vector_load %arg4[%get3A_24] {strides = array<i32>} : memref<12000xi32, #tpu.memory_space<vmem>>, vector<16xi32>,
      %sub3A = vector.broadcast %mul3A_2 : i32 to vector<16xi32>
      %sub3A_26 = arith.subi %get3A_23, %sub3A : vector<16xi32>
      %ge3A = arith.constant 0 : i32
      %ge3A_27 = vector.broadcast %ge3A : i32 to vector<16xi32>
      %ge3A_28 = arith.cmpi sge, %sub3A_26, %ge3A_27 : vector<16xi32>
      %lt3A = arith.constant 16 : i32
      %lt3A_29 = vector.broadcast %lt3A : i32 to vector<16xi32>
      %lt3A_30 = arith.cmpi slt, %sub3A_26, %lt3A_29 : vector<16xi32>
      %and3A = arith.andi %ge3A_28, %lt3A_30 : vector<16xi1>
      %mul3A_31 = arith.constant 512 : i32
      %mul3A_32 = vector.broadcast %mul3A_31 : i32 to vector<16xi32>
      %mul3A_33 = arith.muli %sub3A_26, %mul3A_32 : vector<16xi32>
      %add3A_34 = arith.addi %mul3A_33, %get3A_25 : vector<16xi32>
      %jit3A = arith.constant 0 : i32
      %broadcast_in_dim3A = vector.broadcast %jit3A : i32 to vector<16xi32>
      %select_n3A = arith.select %and3A, %add3A_34, %broadcast_in_dim3A : vector<16xi1>, vector<16xi32>
      %jit3A_35 = arith.constant 1.000000e+00 : f32
      %jit3A_36 = arith.constant 0.000000e+00 : f32
      %broadcast_in_dim3A_37 = vector.broadcast %jit3A_35 : f32 to vector<16xf32>
      %broadcast_in_dim3A_38 = vector.broadcast %jit3A_36 : f32 to vector<16xf32>
      %select_n3A_39 = arith.select %and3A, %broadcast_in_dim3A_37, %broadcast_in_dim3A_38 : vector<16xi1>, vector<16xf32>
      tpu.vector_store_idx %arg6[%select_n3A], %select_n3A_39 {add = true} : memref<8192xf32, #tpu.memory_space<vmem>>[vector<16xi32>], vector<16xf32>,
      %scan3A_40 = arith.constant 0 : i32
      scf.yield %scan3A_40 : i32
    }
    %scan3A_16 = arith.constant 750 : i32
    %mul3A_17 = arith.constant 512 : i32
    %mul3A_18 = arith.muli %mul3A_2, %mul3A_17 : i32
    "tpu.region"() ({
      %run_scoped3A_19 = tpu.sem_alloc : memref<!tpu.dma_semaphore, #tpu.memory_space<semaphore_mem>>
      %dma_start3A = tpu.memref_slice %arg3[%mul3A_18] : memref<262144xf32, #tpu.memory_space<hbm>> -> memref<8192xf32, #tpu.memory_space<hbm>>
      %dma_start3A_20 = tpu.memref_slice %arg3[%mul3A_18] : memref<262144xf32, #tpu.memory_space<hbm>> -> memref<8192xf32, #tpu.memory_space<hbm>>
      tpu.enqueue_dma source(%arg6 : memref<8192xf32, #tpu.memory_space<vmem>>) target(%dma_start3A_20 : memref<8192xf32, #tpu.memory_space<hbm>>) target_semaphore(%run_scoped3A_19 : memref<!tpu.dma_semaphore, #tpu.memory_space<semaphore_mem>>)
      %dma_wait3A = tpu.memref_slice %arg3[%mul3A_18] : memref<262144xf32, #tpu.memory_space<hbm>> -> memref<8192xf32, #tpu.memory_space<hbm>>
      %dma_wait3A_21 = tpu.memref_slice %arg3[%mul3A_18] : memref<262144xf32, #tpu.memory_space<hbm>> -> memref<8192xf32, #tpu.memory_space<hbm>>
      tpu.wait_dma2 semaphore(%run_scoped3A_19 : memref<!tpu.dma_semaphore, #tpu.memory_space<semaphore_mem>>) src(%arg6 : memref<8192xf32, #tpu.memory_space<vmem>>) dst(%dma_wait3A_21 : memref<8192xf32, #tpu.memory_space<hbm>>)
      tpu.yield
    }) : () -> ()
    return
  }
}

module attributes {stable_mosaic.version = 14 : i64} {
  func.func @_lambda_(%arg0: memref<512x512xf32, #tpu.memory_space<vmem>>, %arg1: memref<512x512xf32, #tpu.memory_space<vmem>>) attributes {dimension_semantics = [], scalar_prefetch = 0 : i64, scratch_operands = 0 : i64, tpu.core_type = #tpu.core_type<tc>} {
    %get3A = arith.constant 0 : index
    %get3A_0 = arith.constant 0 : index
    %get3A_1 = vector.load %arg0[%get3A, %get3A_0] : memref<512x512xf32, #tpu.memory_space<vmem>>, vector<512x512xf32>
    %gt3A = arith.constant 0.000000e+00 : f32
    %gt3A_2 = vector.broadcast %gt3A : f32 to vector<512x512xf32>
    %gt3A_3 = arith.cmpf ogt, %get3A_1, %gt3A_2 : vector<512x512xf32>
    %get3A_4 = arith.constant 0 : index
    %get3A_5 = arith.constant 0 : index
    %get3A_6 = vector.load %arg0[%get3A_4, %get3A_5] : memref<512x512xf32, #tpu.memory_space<vmem>>, vector<512x512xf32>
    %log3A = math.log %get3A_6 : vector<512x512xf32>
    %jit3A = arith.constant -1.000000e+30 : f32
    %broadcast_in_dim3A = vector.broadcast %jit3A : f32 to vector<512x512xf32>
    %select_n3A = arith.select %gt3A_3, %log3A, %broadcast_in_dim3A : vector<512x512xi1>, vector<512x512xf32>
    %swap3A = arith.constant 0 : index
    %swap3A_7 = arith.constant 0 : index
    %swap3A_8 = vector.load %arg1[%swap3A, %swap3A_7] : memref<512x512xf32, #tpu.memory_space<vmem>>, vector<512x512xf32>
    tpu.vector_store %arg1[%swap3A, %swap3A_7], %select_n3A {strides = array<i32>} : memref<512x512xf32, #tpu.memory_space<vmem>>, vector<512x512xf32>,
    return
  }
}

module attributes {stable_mosaic.version = 14 : i64} {
  func.func @_conv_body(%arg0: i32, %arg1: memref<1x2x490x128xf32, #tpu.memory_space<vmem>>, %arg2: memref<1x1x64xf32, #tpu.memory_space<vmem>>, %arg3: memref<512x512xf32, #tpu.memory_space<vmem>>, %arg4: memref<1x128xf32, #tpu.memory_space<vmem>>, %arg5: memref<64x128xf32, #tpu.memory_space<vmem>>, %arg6: memref<1x128xf32, #tpu.memory_space<vmem>>, %arg7: memref<64x128xf32, #tpu.memory_space<vmem>>, %arg8: memref<1x128xf32, #tpu.memory_space<vmem>>, %arg9: memref<129x256xf32, #tpu.memory_space<vmem>>, %arg10: memref<65x128xf32, #tpu.memory_space<vmem>>, %arg11: memref<129x256xf32, #tpu.memory_space<vmem>>, %arg12: memref<65x128xf32, #tpu.memory_space<vmem>>, %arg13: memref<1x2x491x32xf32, #tpu.memory_space<vmem>>, %arg14: memref<512x128xf32, #tpu.memory_space<vmem>>) attributes {dimension_semantics = [#tpu.dimension_semantics<parallel>], iteration_bounds = array<i64: 256>, scalar_prefetch = 0 : i64, scratch_operands = 1 : i64, tpu.core_type = #tpu.core_type<tc>, window_params = [{transform_indices = @transform_0, window_bounds = array<i64: 1, 2, 490, 128>}, {transform_indices = @transform_1, window_bounds = array<i64: 1, 1, 64>}, {pipeline_mode = #tpu.pipeline_mode<synchronous>, transform_indices = @transform_2, window_bounds = array<i64: 512, 512>}, {pipeline_mode = #tpu.pipeline_mode<synchronous>, transform_indices = @transform_3, window_bounds = array<i64: 1, 128>}, {pipeline_mode = #tpu.pipeline_mode<synchronous>, transform_indices = @transform_4, window_bounds = array<i64: 64, 128>}, {pipeline_mode = #tpu.pipeline_mode<synchronous>, transform_indices = @transform_5, window_bounds = array<i64: 1, 128>}, {pipeline_mode = #tpu.pipeline_mode<synchronous>, transform_indices = @transform_6, window_bounds = array<i64: 64, 128>}, {pipeline_mode = #tpu.pipeline_mode<synchronous>, transform_indices = @transform_7, window_bounds = array<i64: 1, 128>}, {pipeline_mode = #tpu.pipeline_mode<synchronous>, transform_indices = @transform_8, window_bounds = array<i64: 129, 256>}, {pipeline_mode = #tpu.pipeline_mode<synchronous>, transform_indices = @transform_9, window_bounds = array<i64: 65, 128>}, {pipeline_mode = #tpu.pipeline_mode<synchronous>, transform_indices = @transform_10, window_bounds = array<i64: 129, 256>}, {pipeline_mode = #tpu.pipeline_mode<synchronous>, transform_indices = @transform_11, window_bounds = array<i64: 65, 128>}, {transform_indices = @transform_12, window_bounds = array<i64: 1, 2, 491, 32>}]} {
    %get3A = arith.constant 0 : index
    %get3A_0 = arith.constant 0 : index
    %get3A_1 = vector.load %arg3[%get3A, %get3A_0] : memref<512x512xf32, #tpu.memory_space<vmem>>, vector<512x512xf32>
    %get3A_2 = arith.constant 0 : index
    %get3A_3 = arith.constant 0 : index
    %get3A_4 = vector.load %arg4[%get3A_2, %get3A_3] : memref<1x128xf32, #tpu.memory_space<vmem>>, vector<1x128xf32>
    %get3A_5 = arith.constant 0 : index
    %get3A_6 = arith.constant 0 : index
    %get3A_7 = arith.constant 0 : index
    %get3A_8 = vector.load %arg2[%get3A_5, %get3A_6, %get3A_7] : memref<1x1x64xf32, #tpu.memory_space<vmem>>, vector<1x1x64xf32>
    %get3A_9 = vector.shape_cast %get3A_8 : vector<1x1x64xf32> to vector<1x64xf32>
    %broadcast_in_dim3A = arith.constant 0.000000e+00 : f32
    %broadcast_in_dim3A_10 = vector.broadcast %broadcast_in_dim3A : f32 to vector<512x128xf32>
    %swap3A = arith.constant 0 : index
    %swap3A_11 = arith.constant 0 : index
    %swap3A_12 = vector.load %arg14[%swap3A, %swap3A_11] : memref<512x128xf32, #tpu.memory_space<vmem>>, vector<512x128xf32>
    tpu.vector_store %arg14[%swap3A, %swap3A_11], %broadcast_in_dim3A_10 {strides = array<i32>} : memref<512x128xf32, #tpu.memory_space<vmem>>, vector<512x128xf32>,
    %get3A_13 = arith.constant 0 : index
    %get3A_14 = arith.constant 0 : index
    %get3A_15 = arith.constant 0 : index
    %get3A_16 = arith.constant 0 : index
    %get3A_17 = vector.load %arg1[%get3A_13, %get3A_14, %get3A_15, %get3A_16] : memref<1x2x490x128xf32, #tpu.memory_space<vmem>>, vector<1x1x490x128xf32>
    %get3A_18 = vector.shape_cast %get3A_17 : vector<1x1x490x128xf32> to vector<490x128xf32>
    %add3A = vector.broadcast %get3A_4 : vector<1x128xf32> to vector<490x128xf32>
    %add3A_19 = arith.addf %get3A_18, %add3A : vector<490x128xf32>
    %swap3A_20 = arith.constant 0 : index
    %swap3A_21 = arith.constant 0 : index
    %swap3A_22 = vector.load %arg14[%swap3A_20, %swap3A_21] : memref<512x128xf32, #tpu.memory_space<vmem>>, vector<490x128xf32>
    tpu.vector_store %arg14[%swap3A_20, %swap3A_21], %add3A_19 {strides = array<i32>} : memref<512x128xf32, #tpu.memory_space<vmem>>, vector<490x128xf32>,
    %get3A_23 = arith.constant 0 : index
    %get3A_24 = arith.constant 0 : index
    %get3A_25 = vector.load %arg5[%get3A_23, %get3A_24] : memref<64x128xf32, #tpu.memory_space<vmem>>, vector<64x128xf32>
    %dot_general3A = arith.constant dense<0.000000e+00> : vector<1x128xf32>
    %dot_general3A_26 = tpu.matmul %get3A_9, %get3A_25, %dot_general3A {dimension_numbers = #tpu.dot_dimension_numbers<[1], [0], [0], [1], [0, 0, 1, 1], [], []>, transpose_lhs_hint = false} : vector<1x64xf32>, vector<64x128xf32>, vector<1x128xf32> -> vector<1x128xf32>
    %get3A_27 = arith.constant 0 : index
    %get3A_28 = arith.constant 0 : index
    %get3A_29 = vector.load %arg6[%get3A_27, %get3A_28] : memref<1x128xf32, #tpu.memory_space<vmem>>, vector<1x128xf32>
    %add3A_30 = arith.addf %dot_general3A_26, %get3A_29 : vector<1x128xf32>
    %add3A_31 = arith.addf %add3A_30, %get3A_4 : vector<1x128xf32>
    %swap3A_32 = arith.constant 490 : index
    %swap3A_33 = arith.constant 0 : index
    %swap3A_34 = vector.load %arg14[%swap3A_32, %swap3A_33] : memref<512x128xf32, #tpu.memory_space<vmem>>, vector<1x128xf32>
    tpu.vector_store %arg14[%swap3A_32, %swap3A_33], %add3A_31 {strides = array<i32>} : memref<512x128xf32, #tpu.memory_space<vmem>>, vector<1x128xf32>,
    %get3A_35 = arith.constant 0 : index
    %get3A_36 = arith.constant 0 : index
    %get3A_37 = vector.load %arg14[%get3A_35, %get3A_36] : memref<512x128xf32, #tpu.memory_space<vmem>>, vector<512x128xf32>
    %get3A_38 = arith.constant 0 : index
    %get3A_39 = arith.constant 0 : index
    %get3A_40 = vector.load %arg9[%get3A_38, %get3A_39] : memref<129x256xf32, #tpu.memory_space<vmem>>, vector<128x256xf32>
    %get3A_41 = arith.constant 128 : index
    %get3A_42 = arith.constant 0 : index
    %get3A_43 = vector.load %arg9[%get3A_41, %get3A_42] : memref<129x256xf32, #tpu.memory_space<vmem>>, vector<1x256xf32>
    %dot_general3A_44 = arith.constant dense<0.000000e+00> : vector<512x256xf32>
    %dot_general3A_45 = tpu.matmul %get3A_37, %get3A_40, %dot_general3A_44 {dimension_numbers = #tpu.dot_dimension_numbers<[1], [0], [0], [1], [0, 0, 1, 1], [], []>, transpose_lhs_hint = false} : vector<512x128xf32>, vector<128x256xf32>, vector<512x256xf32> -> vector<512x256xf32>
    %add3A_46 = vector.broadcast %get3A_43 : vector<1x256xf32> to vector<512x256xf32>
    %add3A_47 = arith.addf %dot_general3A_45, %add3A_46 : vector<512x256xf32>
    %slice3A = vector.extract_strided_slice %add3A_47 {offsets = [0, 0], sizes = [512, 64], strides = [1, 1]} : vector<512x256xf32> to vector<512x64xf32>
    %slice3A_48 = vector.extract_strided_slice %add3A_47 {offsets = [0, 64], sizes = [512, 64], strides = [1, 1]} : vector<512x256xf32> to vector<512x64xf32>
    %slice3A_49 = vector.extract_strided_slice %add3A_47 {offsets = [0, 128], sizes = [512, 64], strides = [1, 1]} : vector<512x256xf32> to vector<512x64xf32>
    %slice3A_50 = vector.extract_strided_slice %add3A_47 {offsets = [0, 192], sizes = [512, 64], strides = [1, 1]} : vector<512x256xf32> to vector<512x64xf32>
    %dot_general3A_51 = arith.constant dense<0.000000e+00> : vector<512x512xf32>
    %dot_general3A_52 = tpu.matmul %slice3A, %slice3A_48, %dot_general3A_51 {dimension_numbers = #tpu.dot_dimension_numbers<[1], [1], [0], [0], [0, 0, 1, 0], [], []>, transpose_lhs_hint = false} : vector<512x64xf32>, vector<512x64xf32>, vector<512x512xf32> -> vector<512x512xf32>
    %mul3A = arith.constant 1.250000e-01 : f32
    %mul3A_53 = vector.broadcast %mul3A : f32 to vector<512x512xf32>
    %mul3A_54 = arith.mulf %dot_general3A_52, %mul3A_53 : vector<512x512xf32>
    %add3A_55 = arith.addf %mul3A_54, %get3A_1 : vector<512x512xf32>
    %reduce_max3A = arith.constant dense<0xFF800000> : vector<512xf32>
    %reduce_max3A_56 = vector.multi_reduction <maximumf>, %add3A_55, %reduce_max3A [1] : vector<512x512xf32> to vector<512xf32>
    %broadcast_in_dim3A_57 = vector.shape_cast %reduce_max3A_56 : vector<512xf32> to vector<512x1xf32>
    %max3A = arith.constant -1.000000e+29 : f32
    %max3A_58 = vector.broadcast %max3A : f32 to vector<512x1xf32>
    %max3A_59 = arith.maximumf %broadcast_in_dim3A_57, %max3A_58 : vector<512x1xf32>
    %sub3A = vector.broadcast %max3A_59 : vector<512x1xf32> to vector<512x512xf32>
    %sub3A_60 = arith.subf %add3A_55, %sub3A : vector<512x512xf32>
    %exp3A = math.exp %sub3A_60 : vector<512x512xf32>
    %reduce_sum3A = arith.constant dense<0.000000e+00> : vector<512xf32>
    %reduce_sum3A_61 = vector.multi_reduction <add>, %exp3A, %reduce_sum3A [1] : vector<512x512xf32> to vector<512xf32>
    %broadcast_in_dim3A_62 = vector.shape_cast %reduce_sum3A_61 : vector<512xf32> to vector<512x1xf32>
    %dot_general3A_63 = arith.constant dense<0.000000e+00> : vector<512x64xf32>
    %dot_general3A_64 = tpu.matmul %exp3A, %slice3A_49, %dot_general3A_63 {dimension_numbers = #tpu.dot_dimension_numbers<[1], [0], [0], [1], [0, 0, 1, 1], [], []>, transpose_lhs_hint = false} : vector<512x512xf32>, vector<512x64xf32>, vector<512x64xf32> -> vector<512x64xf32>
    %add3A_65 = arith.constant 1.000000e-16 : f32
    %add3A_66 = vector.broadcast %add3A_65 : f32 to vector<512x1xf32>
    %add3A_67 = arith.addf %broadcast_in_dim3A_62, %add3A_66 : vector<512x1xf32>
    %div3A = vector.broadcast %add3A_67 : vector<512x1xf32> to vector<512x64xf32>
    %div3A_68 = arith.divf %dot_general3A_64, %div3A : vector<512x64xf32>
    %add3A_69 = arith.addf %div3A_68, %slice3A_50 : vector<512x64xf32>
    %ge3A = arith.constant 0.000000e+00 : f32
    %ge3A_70 = vector.broadcast %ge3A : f32 to vector<512x64xf32>
    %ge3A_71 = arith.cmpf oge, %add3A_69, %ge3A_70 : vector<512x64xf32>
    %mul3A_72 = arith.constant 2.000000e-01 : f32
    %mul3A_73 = vector.broadcast %mul3A_72 : f32 to vector<512x64xf32>
    %mul3A_74 = arith.mulf %mul3A_73, %add3A_69 : vector<512x64xf32>
    %select_n3A = arith.select %ge3A_71, %add3A_69, %mul3A_74 : vector<512x64xi1>, vector<512x64xf32>
    %get3A_75 = arith.constant 0 : index
    %get3A_76 = arith.constant 0 : index
    %get3A_77 = vector.load %arg10[%get3A_75, %get3A_76] : memref<65x128xf32, #tpu.memory_space<vmem>>, vector<64x128xf32>
    %get3A_78 = arith.constant 64 : index
    %get3A_79 = arith.constant 0 : index
    %get3A_80 = vector.load %arg10[%get3A_78, %get3A_79] : memref<65x128xf32, #tpu.memory_space<vmem>>, vector<1x128xf32>
    %dot_general3A_81 = arith.constant dense<0.000000e+00> : vector<512x128xf32>
    %dot_general3A_82 = tpu.matmul %select_n3A, %get3A_77, %dot_general3A_81 {dimension_numbers = #tpu.dot_dimension_numbers<[1], [0], [0], [1], [0, 0, 1, 1], [], []>, transpose_lhs_hint = false} : vector<512x64xf32>, vector<64x128xf32>, vector<512x128xf32> -> vector<512x128xf32>
    %add3A_83 = vector.broadcast %get3A_80 : vector<1x128xf32> to vector<512x128xf32>
    %add3A_84 = arith.addf %dot_general3A_82, %add3A_83 : vector<512x128xf32>
    %slice3A_85 = vector.extract_strided_slice %add3A_84 {offsets = [0, 0], sizes = [512, 32], strides = [1, 1]} : vector<512x128xf32> to vector<512x32xf32>
    %slice3A_86 = vector.extract_strided_slice %add3A_84 {offsets = [0, 32], sizes = [512, 32], strides = [1, 1]} : vector<512x128xf32> to vector<512x32xf32>
    %slice3A_87 = vector.extract_strided_slice %add3A_84 {offsets = [0, 64], sizes = [512, 32], strides = [1, 1]} : vector<512x128xf32> to vector<512x32xf32>
    %slice3A_88 = vector.extract_strided_slice %add3A_84 {offsets = [0, 96], sizes = [512, 32], strides = [1, 1]} : vector<512x128xf32> to vector<512x32xf32>
    %dot_general3A_89 = arith.constant dense<0.000000e+00> : vector<512x512xf32>
    %dot_general3A_90 = tpu.matmul %slice3A_85, %slice3A_86, %dot_general3A_89 {dimension_numbers = #tpu.dot_dimension_numbers<[1], [1], [0], [0], [0, 0, 1, 0], [], []>, transpose_lhs_hint = false} : vector<512x32xf32>, vector<512x32xf32>, vector<512x512xf32> -> vector<512x512xf32>
    %mul3A_91 = arith.constant 0.176776692 : f32
    %mul3A_92 = vector.broadcast %mul3A_91 : f32 to vector<512x512xf32>
    %mul3A_93 = arith.mulf %dot_general3A_90, %mul3A_92 : vector<512x512xf32>
    %add3A_94 = arith.addf %mul3A_93, %get3A_1 : vector<512x512xf32>
    %reduce_max3A_95 = arith.constant dense<0xFF800000> : vector<512xf32>
    %reduce_max3A_96 = vector.multi_reduction <maximumf>, %add3A_94, %reduce_max3A_95 [1] : vector<512x512xf32> to vector<512xf32>
    %broadcast_in_dim3A_97 = vector.shape_cast %reduce_max3A_96 : vector<512xf32> to vector<512x1xf32>
    %max3A_98 = arith.constant -1.000000e+29 : f32
    %max3A_99 = vector.broadcast %max3A_98 : f32 to vector<512x1xf32>
    %max3A_100 = arith.maximumf %broadcast_in_dim3A_97, %max3A_99 : vector<512x1xf32>
    %sub3A_101 = vector.broadcast %max3A_100 : vector<512x1xf32> to vector<512x512xf32>
    %sub3A_102 = arith.subf %add3A_94, %sub3A_101 : vector<512x512xf32>
    %exp3A_103 = math.exp %sub3A_102 : vector<512x512xf32>
    %reduce_sum3A_104 = arith.constant dense<0.000000e+00> : vector<512xf32>
    %reduce_sum3A_105 = vector.multi_reduction <add>, %exp3A_103, %reduce_sum3A_104 [1] : vector<512x512xf32> to vector<512xf32>
    %broadcast_in_dim3A_106 = vector.shape_cast %reduce_sum3A_105 : vector<512xf32> to vector<512x1xf32>
    %dot_general3A_107 = arith.constant dense<0.000000e+00> : vector<512x32xf32>
    %dot_general3A_108 = tpu.matmul %exp3A_103, %slice3A_87, %dot_general3A_107 {dimension_numbers = #tpu.dot_dimension_numbers<[1], [0], [0], [1], [0, 0, 1, 1], [], []>, transpose_lhs_hint = false} : vector<512x512xf32>, vector<512x32xf32>, vector<512x32xf32> -> vector<512x32xf32>
    %add3A_109 = arith.constant 1.000000e-16 : f32
    %add3A_110 = vector.broadcast %add3A_109 : f32 to vector<512x1xf32>
    %add3A_111 = arith.addf %broadcast_in_dim3A_106, %add3A_110 : vector<512x1xf32>
    %div3A_112 = vector.broadcast %add3A_111 : vector<512x1xf32> to vector<512x32xf32>
    %div3A_113 = arith.divf %dot_general3A_108, %div3A_112 : vector<512x32xf32>
    %add3A_114 = arith.addf %div3A_113, %slice3A_88 : vector<512x32xf32>
    %slice3A_115 = vector.extract_strided_slice %add3A_114 {offsets = [0, 0], sizes = [491, 32], strides = [1, 1]} : vector<512x32xf32> to vector<491x32xf32>
    %swap3A_116 = arith.constant 0 : index
    %swap3A_117 = arith.constant 0 : index
    %swap3A_118 = arith.constant 0 : index
    %swap3A_119 = arith.constant 0 : index
    %swap3A_120 = vector.load %arg13[%swap3A_116, %swap3A_117, %swap3A_118, %swap3A_119] : memref<1x2x491x32xf32, #tpu.memory_space<vmem>>, vector<1x1x491x32xf32>
    %swap3A_121 = vector.shape_cast %swap3A_120 : vector<1x1x491x32xf32> to vector<491x32xf32>
    %swap3A_122 = vector.shape_cast %slice3A_115 : vector<491x32xf32> to vector<1x1x491x32xf32>
    tpu.vector_store %arg13[%swap3A_116, %swap3A_117, %swap3A_118, %swap3A_119], %swap3A_122 {strides = array<i32>} : memref<1x2x491x32xf32, #tpu.memory_space<vmem>>, vector<1x1x491x32xf32>,
    %broadcast_in_dim3A_123 = arith.constant 0.000000e+00 : f32
    %broadcast_in_dim3A_124 = vector.broadcast %broadcast_in_dim3A_123 : f32 to vector<512x128xf32>
    %swap3A_125 = arith.constant 0 : index
    %swap3A_126 = arith.constant 0 : index
    %swap3A_127 = vector.load %arg14[%swap3A_125, %swap3A_126] : memref<512x128xf32, #tpu.memory_space<vmem>>, vector<512x128xf32>
    tpu.vector_store %arg14[%swap3A_125, %swap3A_126], %broadcast_in_dim3A_124 {strides = array<i32>} : memref<512x128xf32, #tpu.memory_space<vmem>>, vector<512x128xf32>,
    %get3A_128 = arith.constant 0 : index
    %get3A_129 = arith.constant 1 : index
    %get3A_130 = arith.constant 0 : index
    %get3A_131 = arith.constant 0 : index
    %get3A_132 = vector.load %arg1[%get3A_128, %get3A_129, %get3A_130, %get3A_131] : memref<1x2x490x128xf32, #tpu.memory_space<vmem>>, vector<1x1x490x128xf32>
    %get3A_133 = vector.shape_cast %get3A_132 : vector<1x1x490x128xf32> to vector<490x128xf32>
    %add3A_134 = vector.broadcast %get3A_4 : vector<1x128xf32> to vector<490x128xf32>
    %add3A_135 = arith.addf %get3A_133, %add3A_134 : vector<490x128xf32>
    %swap3A_136 = arith.constant 0 : index
    %swap3A_137 = arith.constant 0 : index
    %swap3A_138 = vector.load %arg14[%swap3A_136, %swap3A_137] : memref<512x128xf32, #tpu.memory_space<vmem>>, vector<490x128xf32>
    tpu.vector_store %arg14[%swap3A_136, %swap3A_137], %add3A_135 {strides = array<i32>} : memref<512x128xf32, #tpu.memory_space<vmem>>, vector<490x128xf32>,
    %get3A_139 = arith.constant 0 : index
    %get3A_140 = arith.constant 0 : index
    %get3A_141 = vector.load %arg7[%get3A_139, %get3A_140] : memref<64x128xf32, #tpu.memory_space<vmem>>, vector<64x128xf32>
    %dot_general3A_142 = arith.constant dense<0.000000e+00> : vector<1x128xf32>
    %dot_general3A_143 = tpu.matmul %get3A_9, %get3A_141, %dot_general3A_142 {dimension_numbers = #tpu.dot_dimension_numbers<[1], [0], [0], [1], [0, 0, 1, 1], [], []>, transpose_lhs_hint = false} : vector<1x64xf32>, vector<64x128xf32>, vector<1x128xf32> -> vector<1x128xf32>
    %get3A_144 = arith.constant 0 : index
    %get3A_145 = arith.constant 0 : index
    %get3A_146 = vector.load %arg8[%get3A_144, %get3A_145] : memref<1x128xf32, #tpu.memory_space<vmem>>, vector<1x128xf32>
    %add3A_147 = arith.addf %dot_general3A_143, %get3A_146 : vector<1x128xf32>
    %add3A_148 = arith.addf %add3A_147, %get3A_4 : vector<1x128xf32>
    %swap3A_149 = arith.constant 490 : index
    %swap3A_150 = arith.constant 0 : index
    %swap3A_151 = vector.load %arg14[%swap3A_149, %swap3A_150] : memref<512x128xf32, #tpu.memory_space<vmem>>, vector<1x128xf32>
    tpu.vector_store %arg14[%swap3A_149, %swap3A_150], %add3A_148 {strides = array<i32>} : memref<512x128xf32, #tpu.memory_space<vmem>>, vector<1x128xf32>,
    %get3A_152 = arith.constant 0 : index
    %get3A_153 = arith.constant 0 : index
    %get3A_154 = vector.load %arg14[%get3A_152, %get3A_153] : memref<512x128xf32, #tpu.memory_space<vmem>>, vector<512x128xf32>
    %get3A_155 = arith.constant 0 : index
    %get3A_156 = arith.constant 0 : index
    %get3A_157 = vector.load %arg11[%get3A_155, %get3A_156] : memref<129x256xf32, #tpu.memory_space<vmem>>, vector<128x256xf32>
    %get3A_158 = arith.constant 128 : index
    %get3A_159 = arith.constant 0 : index
    %get3A_160 = vector.load %arg11[%get3A_158, %get3A_159] : memref<129x256xf32, #tpu.memory_space<vmem>>, vector<1x256xf32>
    %dot_general3A_161 = arith.constant dense<0.000000e+00> : vector<512x256xf32>
    %dot_general3A_162 = tpu.matmul %get3A_154, %get3A_157, %dot_general3A_161 {dimension_numbers = #tpu.dot_dimension_numbers<[1], [0], [0], [1], [0, 0, 1, 1], [], []>, transpose_lhs_hint = false} : vector<512x128xf32>, vector<128x256xf32>, vector<512x256xf32> -> vector<512x256xf32>
    %add3A_163 = vector.broadcast %get3A_160 : vector<1x256xf32> to vector<512x256xf32>
    %add3A_164 = arith.addf %dot_general3A_162, %add3A_163 : vector<512x256xf32>
    %slice3A_165 = vector.extract_strided_slice %add3A_164 {offsets = [0, 0], sizes = [512, 64], strides = [1, 1]} : vector<512x256xf32> to vector<512x64xf32>
    %slice3A_166 = vector.extract_strided_slice %add3A_164 {offsets = [0, 64], sizes = [512, 64], strides = [1, 1]} : vector<512x256xf32> to vector<512x64xf32>
    %slice3A_167 = vector.extract_strided_slice %add3A_164 {offsets = [0, 128], sizes = [512, 64], strides = [1, 1]} : vector<512x256xf32> to vector<512x64xf32>
    %slice3A_168 = vector.extract_strided_slice %add3A_164 {offsets = [0, 192], sizes = [512, 64], strides = [1, 1]} : vector<512x256xf32> to vector<512x64xf32>
    %dot_general3A_169 = arith.constant dense<0.000000e+00> : vector<512x512xf32>
    %dot_general3A_170 = tpu.matmul %slice3A_165, %slice3A_166, %dot_general3A_169 {dimension_numbers = #tpu.dot_dimension_numbers<[1], [1], [0], [0], [0, 0, 1, 0], [], []>, transpose_lhs_hint = false} : vector<512x64xf32>, vector<512x64xf32>, vector<512x512xf32> -> vector<512x512xf32>
    %mul3A_171 = arith.constant 1.250000e-01 : f32
    %mul3A_172 = vector.broadcast %mul3A_171 : f32 to vector<512x512xf32>
    %mul3A_173 = arith.mulf %dot_general3A_170, %mul3A_172 : vector<512x512xf32>
    %add3A_174 = arith.addf %mul3A_173, %get3A_1 : vector<512x512xf32>
    %reduce_max3A_175 = arith.constant dense<0xFF800000> : vector<512xf32>
    %reduce_max3A_176 = vector.multi_reduction <maximumf>, %add3A_174, %reduce_max3A_175 [1] : vector<512x512xf32> to vector<512xf32>
    %broadcast_in_dim3A_177 = vector.shape_cast %reduce_max3A_176 : vector<512xf32> to vector<512x1xf32>
    %max3A_178 = arith.constant -1.000000e+29 : f32
    %max3A_179 = vector.broadcast %max3A_178 : f32 to vector<512x1xf32>
    %max3A_180 = arith.maximumf %broadcast_in_dim3A_177, %max3A_179 : vector<512x1xf32>
    %sub3A_181 = vector.broadcast %max3A_180 : vector<512x1xf32> to vector<512x512xf32>
    %sub3A_182 = arith.subf %add3A_174, %sub3A_181 : vector<512x512xf32>
    %exp3A_183 = math.exp %sub3A_182 : vector<512x512xf32>
    %reduce_sum3A_184 = arith.constant dense<0.000000e+00> : vector<512xf32>
    %reduce_sum3A_185 = vector.multi_reduction <add>, %exp3A_183, %reduce_sum3A_184 [1] : vector<512x512xf32> to vector<512xf32>
    %broadcast_in_dim3A_186 = vector.shape_cast %reduce_sum3A_185 : vector<512xf32> to vector<512x1xf32>
    %dot_general3A_187 = arith.constant dense<0.000000e+00> : vector<512x64xf32>
    %dot_general3A_188 = tpu.matmul %exp3A_183, %slice3A_167, %dot_general3A_187 {dimension_numbers = #tpu.dot_dimension_numbers<[1], [0], [0], [1], [0, 0, 1, 1], [], []>, transpose_lhs_hint = false} : vector<512x512xf32>, vector<512x64xf32>, vector<512x64xf32> -> vector<512x64xf32>
    %add3A_189 = arith.constant 1.000000e-16 : f32
    %add3A_190 = vector.broadcast %add3A_189 : f32 to vector<512x1xf32>
    %add3A_191 = arith.addf %broadcast_in_dim3A_186, %add3A_190 : vector<512x1xf32>
    %div3A_192 = vector.broadcast %add3A_191 : vector<512x1xf32> to vector<512x64xf32>
    %div3A_193 = arith.divf %dot_general3A_188, %div3A_192 : vector<512x64xf32>
    %add3A_194 = arith.addf %div3A_193, %slice3A_168 : vector<512x64xf32>
    %ge3A_195 = arith.constant 0.000000e+00 : f32
    %ge3A_196 = vector.broadcast %ge3A_195 : f32 to vector<512x64xf32>
    %ge3A_197 = arith.cmpf oge, %add3A_194, %ge3A_196 : vector<512x64xf32>
    %mul3A_198 = arith.constant 2.000000e-01 : f32
    %mul3A_199 = vector.broadcast %mul3A_198 : f32 to vector<512x64xf32>
    %mul3A_200 = arith.mulf %mul3A_199, %add3A_194 : vector<512x64xf32>
    %select_n3A_201 = arith.select %ge3A_197, %add3A_194, %mul3A_200 : vector<512x64xi1>, vector<512x64xf32>
    %get3A_202 = arith.constant 0 : index
    %get3A_203 = arith.constant 0 : index
    %get3A_204 = vector.load %arg12[%get3A_202, %get3A_203] : memref<65x128xf32, #tpu.memory_space<vmem>>, vector<64x128xf32>
    %get3A_205 = arith.constant 64 : index
    %get3A_206 = arith.constant 0 : index
    %get3A_207 = vector.load %arg12[%get3A_205, %get3A_206] : memref<65x128xf32, #tpu.memory_space<vmem>>, vector<1x128xf32>
    %dot_general3A_208 = arith.constant dense<0.000000e+00> : vector<512x128xf32>
    %dot_general3A_209 = tpu.matmul %select_n3A_201, %get3A_204, %dot_general3A_208 {dimension_numbers = #tpu.dot_dimension_numbers<[1], [0], [0], [1], [0, 0, 1, 1], [], []>, transpose_lhs_hint = false} : vector<512x64xf32>, vector<64x128xf32>, vector<512x128xf32> -> vector<512x128xf32>
    %add3A_210 = vector.broadcast %get3A_207 : vector<1x128xf32> to vector<512x128xf32>
    %add3A_211 = arith.addf %dot_general3A_209, %add3A_210 : vector<512x128xf32>
    %slice3A_212 = vector.extract_strided_slice %add3A_211 {offsets = [0, 0], sizes = [512, 32], strides = [1, 1]} : vector<512x128xf32> to vector<512x32xf32>
    %slice3A_213 = vector.extract_strided_slice %add3A_211 {offsets = [0, 32], sizes = [512, 32], strides = [1, 1]} : vector<512x128xf32> to vector<512x32xf32>
    %slice3A_214 = vector.extract_strided_slice %add3A_211 {offsets = [0, 64], sizes = [512, 32], strides = [1, 1]} : vector<512x128xf32> to vector<512x32xf32>
    %slice3A_215 = vector.extract_strided_slice %add3A_211 {offsets = [0, 96], sizes = [512, 32], strides = [1, 1]} : vector<512x128xf32> to vector<512x32xf32>
    %dot_general3A_216 = arith.constant dense<0.000000e+00> : vector<512x512xf32>
    %dot_general3A_217 = tpu.matmul %slice3A_212, %slice3A_213, %dot_general3A_216 {dimension_numbers = #tpu.dot_dimension_numbers<[1], [1], [0], [0], [0, 0, 1, 0], [], []>, transpose_lhs_hint = false} : vector<512x32xf32>, vector<512x32xf32>, vector<512x512xf32> -> vector<512x512xf32>
    %mul3A_218 = arith.constant 0.176776692 : f32
    %mul3A_219 = vector.broadcast %mul3A_218 : f32 to vector<512x512xf32>
    %mul3A_220 = arith.mulf %dot_general3A_217, %mul3A_219 : vector<512x512xf32>
    %add3A_221 = arith.addf %mul3A_220, %get3A_1 : vector<512x512xf32>
    %reduce_max3A_222 = arith.constant dense<0xFF800000> : vector<512xf32>
    %reduce_max3A_223 = vector.multi_reduction <maximumf>, %add3A_221, %reduce_max3A_222 [1] : vector<512x512xf32> to vector<512xf32>
    %broadcast_in_dim3A_224 = vector.shape_cast %reduce_max3A_223 : vector<512xf32> to vector<512x1xf32>
    %max3A_225 = arith.constant -1.000000e+29 : f32
    %max3A_226 = vector.broadcast %max3A_225 : f32 to vector<512x1xf32>
    %max3A_227 = arith.maximumf %broadcast_in_dim3A_224, %max3A_226 : vector<512x1xf32>
    %sub3A_228 = vector.broadcast %max3A_227 : vector<512x1xf32> to vector<512x512xf32>
    %sub3A_229 = arith.subf %add3A_221, %sub3A_228 : vector<512x512xf32>
    %exp3A_230 = math.exp %sub3A_229 : vector<512x512xf32>
    %reduce_sum3A_231 = arith.constant dense<0.000000e+00> : vector<512xf32>
    %reduce_sum3A_232 = vector.multi_reduction <add>, %exp3A_230, %reduce_sum3A_231 [1] : vector<512x512xf32> to vector<512xf32>
    %broadcast_in_dim3A_233 = vector.shape_cast %reduce_sum3A_232 : vector<512xf32> to vector<512x1xf32>
    %dot_general3A_234 = arith.constant dense<0.000000e+00> : vector<512x32xf32>
    %dot_general3A_235 = tpu.matmul %exp3A_230, %slice3A_214, %dot_general3A_234 {dimension_numbers = #tpu.dot_dimension_numbers<[1], [0], [0], [1], [0, 0, 1, 1], [], []>, transpose_lhs_hint = false} : vector<512x512xf32>, vector<512x32xf32>, vector<512x32xf32> -> vector<512x32xf32>
    %add3A_236 = arith.constant 1.000000e-16 : f32
    %add3A_237 = vector.broadcast %add3A_236 : f32 to vector<512x1xf32>
    %add3A_238 = arith.addf %broadcast_in_dim3A_233, %add3A_237 : vector<512x1xf32>
    %div3A_239 = vector.broadcast %add3A_238 : vector<512x1xf32> to vector<512x32xf32>
    %div3A_240 = arith.divf %dot_general3A_235, %div3A_239 : vector<512x32xf32>
    %add3A_241 = arith.addf %div3A_240, %slice3A_215 : vector<512x32xf32>
    %slice3A_242 = vector.extract_strided_slice %add3A_241 {offsets = [0, 0], sizes = [491, 32], strides = [1, 1]} : vector<512x32xf32> to vector<491x32xf32>
    %swap3A_243 = arith.constant 0 : index
    %swap3A_244 = arith.constant 1 : index
    %swap3A_245 = arith.constant 0 : index
    %swap3A_246 = arith.constant 0 : index
    %swap3A_247 = vector.load %arg13[%swap3A_243, %swap3A_244, %swap3A_245, %swap3A_246] : memref<1x2x491x32xf32, #tpu.memory_space<vmem>>, vector<1x1x491x32xf32>
    %swap3A_248 = vector.shape_cast %swap3A_247 : vector<1x1x491x32xf32> to vector<491x32xf32>
    %swap3A_249 = vector.shape_cast %slice3A_242 : vector<491x32xf32> to vector<1x1x491x32xf32>
    tpu.vector_store %arg13[%swap3A_243, %swap3A_244, %swap3A_245, %swap3A_246], %swap3A_249 {strides = array<i32>} : memref<1x2x491x32xf32, #tpu.memory_space<vmem>>, vector<1x1x491x32xf32>,
    return
  }
  func.func @transform_0(%arg0: i32) -> (i32, i32, i32, i32) {
    %c0_i32 = arith.constant 0 : i32
    %c0_i32_0 = arith.constant 0 : i32
    %c0_i32_1 = arith.constant 0 : i32
    %c0_i32_2 = arith.constant 0 : i32
    return %arg0, %c0_i32, %c0_i32_0, %c0_i32_1 : i32, i32, i32, i32
  }
  func.func @transform_1(%arg0: i32) -> (i32, i32, i32) {
    %c0_i32 = arith.constant 0 : i32
    %c0_i32_0 = arith.constant 0 : i32
    %c0_i32_1 = arith.constant 0 : i32
    return %arg0, %c0_i32, %c0_i32_0 : i32, i32, i32
  }
  func.func @transform_2(%arg0: i32) -> (i32, i32) {
    %c0_i32 = arith.constant 0 : i32
    %c0_i32_0 = arith.constant 0 : i32
    %c0_i32_1 = arith.constant 0 : i32
    return %c0_i32, %c0_i32_0 : i32, i32
  }
  func.func @transform_3(%arg0: i32) -> (i32, i32) {
    %c0_i32 = arith.constant 0 : i32
    %c0_i32_0 = arith.constant 0 : i32
    %c0_i32_1 = arith.constant 0 : i32
    return %c0_i32, %c0_i32_0 : i32, i32
  }
  func.func @transform_4(%arg0: i32) -> (i32, i32) {
    %c0_i32 = arith.constant 0 : i32
    %c0_i32_0 = arith.constant 0 : i32
    %c0_i32_1 = arith.constant 0 : i32
    return %c0_i32, %c0_i32_0 : i32, i32
  }
  func.func @transform_5(%arg0: i32) -> (i32, i32) {
    %c0_i32 = arith.constant 0 : i32
    %c0_i32_0 = arith.constant 0 : i32
    %c0_i32_1 = arith.constant 0 : i32
    return %c0_i32, %c0_i32_0 : i32, i32
  }
  func.func @transform_6(%arg0: i32) -> (i32, i32) {
    %c0_i32 = arith.constant 0 : i32
    %c0_i32_0 = arith.constant 0 : i32
    %c0_i32_1 = arith.constant 0 : i32
    return %c0_i32, %c0_i32_0 : i32, i32
  }
  func.func @transform_7(%arg0: i32) -> (i32, i32) {
    %c0_i32 = arith.constant 0 : i32
    %c0_i32_0 = arith.constant 0 : i32
    %c0_i32_1 = arith.constant 0 : i32
    return %c0_i32, %c0_i32_0 : i32, i32
  }
  func.func @transform_8(%arg0: i32) -> (i32, i32) {
    %c0_i32 = arith.constant 0 : i32
    %c0_i32_0 = arith.constant 0 : i32
    %c0_i32_1 = arith.constant 0 : i32
    return %c0_i32, %c0_i32_0 : i32, i32
  }
  func.func @transform_9(%arg0: i32) -> (i32, i32) {
    %c0_i32 = arith.constant 0 : i32
    %c0_i32_0 = arith.constant 0 : i32
    %c0_i32_1 = arith.constant 0 : i32
    return %c0_i32, %c0_i32_0 : i32, i32
  }
  func.func @transform_10(%arg0: i32) -> (i32, i32) {
    %c0_i32 = arith.constant 0 : i32
    %c0_i32_0 = arith.constant 0 : i32
    %c0_i32_1 = arith.constant 0 : i32
    return %c0_i32, %c0_i32_0 : i32, i32
  }
  func.func @transform_11(%arg0: i32) -> (i32, i32) {
    %c0_i32 = arith.constant 0 : i32
    %c0_i32_0 = arith.constant 0 : i32
    %c0_i32_1 = arith.constant 0 : i32
    return %c0_i32, %c0_i32_0 : i32, i32
  }
  func.func @transform_12(%arg0: i32) -> (i32, i32, i32, i32) {
    %c0_i32 = arith.constant 0 : i32
    %c0_i32_0 = arith.constant 0 : i32
    %c0_i32_1 = arith.constant 0 : i32
    %c0_i32_2 = arith.constant 0 : i32
    return %arg0, %c0_i32, %c0_i32_0, %c0_i32_1 : i32, i32, i32, i32
  }
}

module attributes {stable_mosaic.version = 14 : i64} {
  func.func @_mlp_body(%arg0: i32, %arg1: memref<32x31424xf32, #tpu.memory_space<vmem>>, %arg2: memref<100x31424xf32, #tpu.memory_space<vmem>>, %arg3: memref<1x100xf32, #tpu.memory_space<vmem>>, %arg4: memref<1x100xf32, #tpu.memory_space<vmem>>, %arg5: memref<1x1xf32, #tpu.memory_space<vmem>>, %arg6: memref<32x1xf32, #tpu.memory_space<vmem>>) attributes {dimension_semantics = [#tpu.dimension_semantics<parallel>], iteration_bounds = array<i64: 8>, scalar_prefetch = 0 : i64, scratch_operands = 0 : i64, tpu.core_type = #tpu.core_type<tc>, window_params = [{transform_indices = @transform_0, window_bounds = array<i64: 32, 31424>}, {pipeline_mode = #tpu.pipeline_mode<synchronous>, transform_indices = @transform_1, window_bounds = array<i64: 100, 31424>}, {pipeline_mode = #tpu.pipeline_mode<synchronous>, transform_indices = @transform_2, window_bounds = array<i64: 1, 100>}, {pipeline_mode = #tpu.pipeline_mode<synchronous>, transform_indices = @transform_3, window_bounds = array<i64: 1, 100>}, {pipeline_mode = #tpu.pipeline_mode<synchronous>, transform_indices = @transform_4, window_bounds = array<i64: 1, 1>}, {transform_indices = @transform_5, window_bounds = array<i64: 32, 1>}]} {
    %get3A = arith.constant 0 : index
    %get3A_0 = arith.constant 0 : index
    %get3A_1 = vector.load %arg1[%get3A, %get3A_0] : memref<32x31424xf32, #tpu.memory_space<vmem>>, vector<32x31424xf32>
    %get3A_2 = arith.constant 0 : index
    %get3A_3 = arith.constant 0 : index
    %get3A_4 = vector.load %arg2[%get3A_2, %get3A_3] : memref<100x31424xf32, #tpu.memory_space<vmem>>, vector<100x31424xf32>
    %dot_general3A = arith.constant dense<0.000000e+00> : vector<32x100xf32>
    %dot_general3A_5 = tpu.matmul %get3A_1, %get3A_4, %dot_general3A {dimension_numbers = #tpu.dot_dimension_numbers<[1], [1], [0], [0], [0, 0, 1, 0], [], []>, transpose_lhs_hint = false} : vector<32x31424xf32>, vector<100x31424xf32>, vector<32x100xf32> -> vector<32x100xf32>
    %get3A_6 = arith.constant 0 : index
    %get3A_7 = arith.constant 0 : index
    %get3A_8 = vector.load %arg3[%get3A_6, %get3A_7] : memref<1x100xf32, #tpu.memory_space<vmem>>, vector<1x100xf32>
    %add3A = vector.broadcast %get3A_8 : vector<1x100xf32> to vector<32x100xf32>
    %add3A_9 = arith.addf %dot_general3A_5, %add3A : vector<32x100xf32>
    %ge3A = arith.constant 0.000000e+00 : f32
    %ge3A_10 = vector.broadcast %ge3A : f32 to vector<32x100xf32>
    %ge3A_11 = arith.cmpf oge, %add3A_9, %ge3A_10 : vector<32x100xf32>
    %mul3A = arith.constant 2.000000e-01 : f32
    %mul3A_12 = vector.broadcast %mul3A : f32 to vector<32x100xf32>
    %mul3A_13 = arith.mulf %mul3A_12, %add3A_9 : vector<32x100xf32>
    %select_n3A = arith.select %ge3A_11, %add3A_9, %mul3A_13 : vector<32x100xi1>, vector<32x100xf32>
    %get3A_14 = arith.constant 0 : index
    %get3A_15 = arith.constant 0 : index
    %get3A_16 = vector.load %arg4[%get3A_14, %get3A_15] : memref<1x100xf32, #tpu.memory_space<vmem>>, vector<1x100xf32>
    %mul3A_17 = vector.broadcast %get3A_16 : vector<1x100xf32> to vector<32x100xf32>
    %mul3A_18 = arith.mulf %select_n3A, %mul3A_17 : vector<32x100xf32>
    %reduce_sum3A = arith.constant dense<0.000000e+00> : vector<32xf32>
    %reduce_sum3A_19 = vector.multi_reduction <add>, %mul3A_18, %reduce_sum3A [1] : vector<32x100xf32> to vector<32xf32>
    %broadcast_in_dim3A = vector.shape_cast %reduce_sum3A_19 : vector<32xf32> to vector<32x1xf32>
    %get3A_20 = arith.constant 0 : index
    %get3A_21 = arith.constant 0 : index
    %get3A_22 = vector.load %arg5[%get3A_20, %get3A_21] : memref<1x1xf32, #tpu.memory_space<vmem>>, vector<1x1xf32>
    %add3A_23 = vector.broadcast %get3A_22 : vector<1x1xf32> to vector<32x1xf32>
    %add3A_24 = arith.addf %broadcast_in_dim3A, %add3A_23 : vector<32x1xf32>
    %swap3A = arith.constant 0 : index
    %swap3A_25 = arith.constant 0 : index
    %swap3A_26 = vector.load %arg6[%swap3A, %swap3A_25] : memref<32x1xf32, #tpu.memory_space<vmem>>, vector<32x1xf32>
    tpu.vector_store %arg6[%swap3A, %swap3A_25], %add3A_24 {strides = array<i32>} : memref<32x1xf32, #tpu.memory_space<vmem>>, vector<32x1xf32>,
    return
  }
  func.func @transform_0(%arg0: i32) -> (i32, i32) {
    %c0_i32 = arith.constant 0 : i32
    %c0_i32_0 = arith.constant 0 : i32
    return %arg0, %c0_i32 : i32, i32
  }
  func.func @transform_1(%arg0: i32) -> (i32, i32) {
    %c0_i32 = arith.constant 0 : i32
    %c0_i32_0 = arith.constant 0 : i32
    %c0_i32_1 = arith.constant 0 : i32
    return %c0_i32, %c0_i32_0 : i32, i32
  }
  func.func @transform_2(%arg0: i32) -> (i32, i32) {
    %c0_i32 = arith.constant 0 : i32
    %c0_i32_0 = arith.constant 0 : i32
    %c0_i32_1 = arith.constant 0 : i32
    return %c0_i32, %c0_i32_0 : i32, i32
  }
  func.func @transform_3(%arg0: i32) -> (i32, i32) {
    %c0_i32 = arith.constant 0 : i32
    %c0_i32_0 = arith.constant 0 : i32
    %c0_i32_1 = arith.constant 0 : i32
    return %c0_i32, %c0_i32_0 : i32, i32
  }
  func.func @transform_4(%arg0: i32) -> (i32, i32) {
    %c0_i32 = arith.constant 0 : i32
    %c0_i32_0 = arith.constant 0 : i32
    %c0_i32_1 = arith.constant 0 : i32
    return %c0_i32, %c0_i32_0 : i32, i32
  }
  func.func @transform_5(%arg0: i32) -> (i32, i32) {
    %c0_i32 = arith.constant 0 : i32
    %c0_i32_0 = arith.constant 0 : i32
    return %arg0, %c0_i32 : i32, i32
  }
}

</mosaic_0001>

<sc_bundles>
// kernel: kernel.6.cloned.1.call-start
scs
__scs_entry_jumppad:
0x0: {  	(pc) =	sbr.rel $0x88, $3  }
0x1: {  	(tag) =	ssettag $0x0;
	lr =	simm.s32 $0x1  }
0x2: {  	[smem:$0x3F75] =	sst lr;
	_ =	strace $0xD0000000  }
0x3: {  	_ = 	snop  }
0x4: {  	_ = 	snop  }
0x5: {  	_ = 	snop  }
0x6: {  	_ = 	snop  }
0x7: {  	_ = 	snop  }
__scs_overlays_trampoline_lowered:
0x8: {  	[smem:$0x3F84] =	sst s0  }
0x9: {  	[smem:$0x3F85] =	sst s1  }
0xa: {  	[smem:$0x3F86] =	sst s2  }
0xb: {  	[smem:$0x3F87] =	sst s3  }
0xc: {  	[smem:$0x3F88] =	sst s4  }
0xd: {  	[smem:$0x3F89] =	sst s5  }
0xe: {  	[smem:$0x3F8A] =	sst s6  }
0xf: {  	[smem:$0x3F8B] =	sst s7  }
0x10: {  	[smem:$0x3F8C] =	sst s8  }
0x11: {  	[smem:$0x3F8D] =	sst s9;
	s0 =	simm.s32 @!p0 $0x0  }
0x12: {  	s1 =	sld [smem:$0x3F73];
	s0 =	simm.s32 @p0 $0x1  }
0x13: {  	[smem:$0x3F8E] =	sst s0;
	s0 =	simm.s32 @!p1 $0x0  }
0x14: {  	s2 =	sld [smem:$0x3F72];
	s0 =	simm.s32 @p1 $0x1  }
0x15: {  	[smem:$0x3F8F] =	sst s0;
	s0 =	simm.s32 @!p2 $0x0  }
0x16: {  	s3 =	sld [smem:$0x3FDB];
	s0 =	simm.s32 @p2 $0x1  }
0x17: {  	s4 =	simm.s32 $0x1BF5;
	[smem:$0x3F91] =	sst s0  }
0x18: {  	s0 =	sld [smem:$0x3F74];
	_ =	swait.ge [sflag:s4], $0x0  }
0x19: {  	s7 =	sld [smem:$0x3F75]  }
0x1a: {  	s8 =	sadd.s32 $0xFFFFE003, lr  }
0x1b: {  	s9 =	sadd.s32 $0xFFFFFEF7, lr;
	s5 =	simm.s32 $0xFFFFFFFF;
	p2 =	slt.u32 s8, $0xFFFFF086  }
0x1c: {  	p1 =	slt.u32 s9, $0xF7A;
	s5 =	simm.s32 @!p2 $0x0  }
0x1d: {  	s5 =	simm.s32 @p1 $0x1;
	p0 =	seq.s32 s7, s2  }
0x1e: {  	s7 =	smul.u32 @!p0 $0xF7A, s2;
	p2 =	seq.s32 @!p0 s5, $0x0  }
0x1f: {  	s9 =	smul.u32 $0xF7A, s1;
	s8 =	simm.s32 @!p0 $0x1BF5;
	p2 =	por !p2, p0  }
0x20: {  	[sflag:s8] =	ssyncset.s32 @!p0 $0xFFFFF086;
	s6 =	sadd.s32 @!p0 s3, s7;
	s7 =	simm.s32 @!p0 $0x108  }
0x21: {  	s3 =	sadd.s32 s3, s9;
	s6 =	sadd.s32 @!p0 $0x88, s6;
	s7 =	simm.s32 @p2 $0x1082  }
0x22: {  	[simem:s7], [sflag:s8] =	dma.local @!p0 [hbm:s6], $0xF7A  }
0x23: {  	s9 =	sor.u32 $0xD0000000, s2;
	s6 =	simm.s32 $0x108;
	_ =	swait.ge @!p0 [sflag:s8], $0x0  }
0x24: {  	s3 =	sadd.s32 $0x88, s3;
	s6 =	simm.s32 @!p1 $0x1082;
	[sflag:s4] =	ssyncset.s32 $0xFFFFF086  }
0x25: {  	[simem:s6], [sflag:s4] =	dma.local [hbm:s3], $0xF7A  }
0x26: {  	[smem:$0x3F75] =	sst s1;
	(tag) =	ssettag s2;
	_ =	strace s9  }
0x27: {  	s1 =	sld [smem:$0x3F85]  }
0x28: {  	s2 =	sld [smem:$0x3F86]  }
0x29: {  	s4 =	sld [smem:$0x3F88]  }
0x2a: {  	p0 =	seq.s32 s5, $0x0;
	s5 =	sld [smem:$0x3F89]  }
0x2b: {  	s6 =	sld [smem:$0x3F8A]  }
0x2c: {  	s7 =	sld [smem:$0x3F8B]  }
0x2d: {  	s3 =	simm.s32 $0x108;
	s8 =	sld [smem:$0x3F8C]  }
0x2e: {  	s3 =	simm.s32 @!p0 $0x1082;
	s9 =	sld [smem:$0x3F8D]  }
0x2f: {  	lr =	sadd.s32 s0, s3;
	s0 =	sld [smem:$0x3F84]  }
0x30: {  	s3 =	sld [smem:$0x3F87]  }
0x31: {  	[smem:$0x3F90] =	sst s10  }
0x32: {  	s10 =	sld [smem:$0x3F8E];
	_ =	sdelay $0x3  }
0x33: {  	p0 =	seq.s32 s10, $0x1;
	s10 =	sld [smem:$0x3F90];
	_ =	sdelay $0x3  }
0x34: {  	[smem:$0x3F90] =	sst s10  }
0x35: {  	s10 =	sld [smem:$0x3F8F];
	_ =	sdelay $0x3  }
0x36: {  	p1 =	seq.s32 s10, $0x1;
	s10 =	sld [smem:$0x3F90];
	_ =	sdelay $0x3  }
0x37: {  	[smem:$0x3F90] =	sst s10  }
0x38: {  	s10 =	sld [smem:$0x3F91]  }
0x39: {  	_ = 	snop;
	(pc) =	sbr.ind lr, $3  }
0x3a: {  	_ = 	snop  }
0x3b: {  	_ = 	snop  }
0x3c: {  	p2 =	seq.s32 s10, $0x1;
	s10 =	sld [smem:$0x3F90]  }
0x3d: {  	_ =	shalt  }
0x3e: {  	_ =	shalt  }
0x3f: {  	_ =	shalt  }
0x40: {  	_ =	shalt  }
0x41: {  	_ =	shalt  }
0x42: {  	_ =	shalt  }
0x43: {  	_ =	shalt  }
0x44: {  	_ =	shalt  }
0x45: {  	_ =	shalt  }
0x46: {  	_ =	shalt  }
0x47: {  	_ =	shalt  }
0x48: {  	_ =	shalt  }
0x49: {  	_ =	shalt  }
0x4a: {  	_ =	shalt  }
0x4b: {  	_ =	shalt  }
0x4c: {  	_ =	shalt  }
0x4d: {  	_ =	shalt  }
0x4e: {  	_ =	shalt  }
0x4f: {  	_ =	shalt  }
0x50: {  	_ =	shalt  }
0x51: {  	_ =	shalt  }
0x52: {  	_ =	shalt  }
0x53: {  	_ =	shalt  }
0x54: {  	_ =	shalt  }
0x55: {  	_ =	shalt  }
0x56: {  	_ =	shalt  }
0x57: {  	_ =	shalt  }
0x58: {  	_ =	shalt  }
0x59: {  	_ =	shalt  }
0x5a: {  	_ =	shalt  }
0x5b: {  	_ =	shalt  }
0x5c: {  	_ =	shalt  }
0x5d: {  	_ =	shalt  }
0x5e: {  	_ =	shalt  }
0x5f: {  	_ =	shalt  }
0x60: {  	_ =	shalt  }
0x61: {  	_ =	shalt  }
0x62: {  	_ =	shalt  }
0x63: {  	_ =	shalt  }
0x64: {  	_ =	shalt  }
0x65: {  	_ =	shalt  }
0x66: {  	_ =	shalt  }
0x67: {  	_ =	shalt  }
0x68: {  	_ =	shalt  }
0x69: {  	_ =	shalt  }
0x6a: {  	_ =	shalt  }
0x6b: {  	_ =	shalt  }
0x6c: {  	_ =	shalt  }
0x6d: {  	_ =	shalt  }
0x6e: {  	_ =	shalt  }
0x6f: {  	_ =	shalt  }
0x70: {  	_ =	shalt  }
0x71: {  	_ =	shalt  }
0x72: {  	_ =	shalt  }
0x73: {  	_ =	shalt  }
0x74: {  	_ =	shalt  }
0x75: {  	_ =	shalt  }
0x76: {  	_ =	shalt  }
0x77: {  	_ =	shalt  }
0x78: {  	_ =	shalt  }
0x79: {  	_ =	shalt  }
0x7a: {  	_ =	shalt  }
0x7b: {  	_ =	shalt  }
0x7c: {  	_ =	shalt  }
0x7d: {  	_ =	shalt  }
0x7e: {  	_ =	shalt  }
0x7f: {  	_ =	shalt  }
0x80: {  	_ =	shalt  }
0x81: {  	_ =	shalt  }
0x82: {  	_ =	shalt  }
0x83: {  	_ =	shalt  }
0x84: {  	_ =	shalt  }
0x85: {  	_ =	shalt  }
0x86: {  	_ =	shalt  }
0x87: {  	_ =	shalt  }
.Lfunc_end0:
.L_simem_size_0:
called_computation_lowered:
.L_overlay_start_0:
0x88: {  	s2 =	sld [smem:$0x3FD9]  }
0x89: {  	s3 =	sld [smem:$0x3FFE];
	_ =	sdelay $0x1  }
0x8a: {  	s1 =	srdreg.scid  }
0x8b: {  	s0 =	sand.u32 $0x1, s1  }
0x8c: {  	s17 =	sshll.u32 s0, $0xA;
	s2 =	sadd.s32 s3, s2  }
0x8d: {  	s2 =	sadd.s32 s2, s17  }
0x8e: {  	[smem:$0x3F9C] =	sst s2  }
0x8f: {  	_ = 	snop  }
0x90: {  	s2 =	sld [smem:$0x3FC7];
	(tm) =	ssettm $0x1  }
0x91: {  	s18 =	sld [smem:$0x3FFB];
	_ =	sdelay $0x3  }
0x92: {  	_ =	strace s18  }
0x93: {  	s3 =	sld [smem:$0x3FFC];
	_ =	sdelay $0x3  }
0x94: {  	_ =	strace s3  }
0x95: {  	s3 =	sld [smem:$0x3FFD];
	_ =	sdelay $0x3  }
0x96: {  	_ =	strace s3  }
0x97: {  	_ =	strace $0x8FFFFFFF  }
0x98: {  	s19 =	sld [smem:$0x3FDB];
	_ =	sdelay $0x1  }
0x99: {  	s4 =	simm.s32 $_scs_section_size  }
0x9a: {  	s5 =	simm.s32 $_size__tile_overlayer_lowered;
	s6 =	simm.s32 $_tile_overlayer_lowered  }
0x9b: {  	s22 =	simm.s32 $0x1BFF;
	s21 =	sshll.u32 s6, $0x1;
	s3 =	sadd.s32 s4, s19  }
0x9c: {  	s7 =	simm.s32 $0x0;
	s20 =	sshll.u32 s5, $0x1;
	s5 =	sadd.s32 s21, s3  }
0x9d: {  	[timem:s7], [sflag:s22] =	dma.local [hbm:s5], s20  }
0x9e: {  	_ =	swait.ge [sflag:s22], s20  }
0x9f: {  	s4 =	ssub.s32 $0x0, s20;
	[sflag:s22] =	ssyncset.done $0x0  }
0xa0: {  	[sflag:s22] =	ssyncadd.s32 s4;
	_ =	sdelay $0x1  }
0xa1: {  	s23 =	simm.s32 $0x1B8B  }
0xa2: {  	_ =	swait.ge [sflag:s23], $0x1  }
0xa3: {  	[sflag:s23] =	ssyncset.done $0x0  }
0xa4: {  	s25 =	simm.s32 $0x1B8E;
	s24 =	sld [smem:$0x3FFE];
	[sflag:s23] =	ssyncadd.s32 $0xFFFFFFFF  }
0xa5: {  	s26 =	simm.s32 $execute0_lowered;
	[smem:$0x3FD2] =	sst s25  }
0xa6: {  	s5 =	sshll.u32 s26, $0x1;
	_ =	strace $0x80000046;
	[dreg:$0x1] =	wrdreg $0xFFFFFFFF  }
0xa7: {  	s28 =	simm.s32 $_size_execute0_lowered;
	s3 =	sadd.s32 s3, s5;
	[dreg:$0x0] =	wrdreg $0x0  }
0xa8: {  	s5 =	sshll.u32 s28, $0x1;
	[dreg:$0x2] =	wrdreg s3  }
0xa9: {  	[dreg:$0x3] =	wrdreg s5  }
0xaa: {  	[dreg:$0x4] =	wrdreg $0xC0  }
0xab: {  	_ =	task [dreg:s7], $0x5FFFF  }
0xac: {  	[dreg:$0x1] =	wrdreg $0xFFFFFFFF  }
0xad: {  	[dreg:$0x0] =	wrdreg $0x60  }
0xae: {  	[dreg:$0x2] =	wrdreg s2  }
0xaf: {  	[dreg:$0x3] =	wrdreg s24  }
0xb0: {  	[dreg:$0x4] =	wrdreg $0x9  }
0xb1: {  	_ =	task.clear_ibuf [dreg:s7], $0x5FFFF;
	_ =	strace $0x90000046  }
0xb2: {  	s29 =	simm.s32 $0x9;
	_ =	strace $0x80000048  }
0xb3: {  	_ =	swait.ge [sflag:s29], $0x1  }
0xb4: {  	[sflag:s29] =	ssyncadd.s32 $0xFFFFFFFF  }
0xb5: {  	_ =	strace $0x90000048  }
0xb6: {  	_ =	sfence  }
0xb7: {  	s30 =	sld [smem:$0x0];
	_ =	sdelay $0x2  }
0xb8: {  	s31 =	sshll.u32 s1, $0xD;
	s1 =	sshrl.u32 s1, $0x2  }
0xb9: {  	s3 =	sand.u32 $0x4000, s31;
	s1 =	sadd.s32 s1, s30  }
0xba: {  	s0 =	sor.u32 s3, s0;
	s1 =	sshll.u32 s1, $0x11  }
0xbb: {  	s0 =	sor.u32 s1, s0  }
0xbc: {  	s0 =	sadd.s32 $0x8F2B, s0  }
0xbd: {  	[sflag:s0] =	ssyncadd.remote.s32 $0x1  }
0xbe: {  	_ =	sfence.sel $0xFFFF  }
0xbf: {  	[dreg:$0x0] =	wrdreg $0xFFFFFFFF;
	(pc) =	sbr.abs _section_cstart, $3  }
0xc0: {  	[dreg:$0x1] =	wrdreg $0xFFFFFFFF  }
0xc1: {  	_ =	task.clear_ibuf [dreg:s7], $0x2FFFF;
	_ =	strace $0x9FFFFFFF  }
0xc2: {  	(tm) =	ssettm $0x7FFFFFFF  }
0xc3: {  	_ =	shalt  }
tec
execute0_lowered:
.L_overlay_start_1:
0x0: {  	(tag) =	ssettag $0x1  }
0x1: {  	s2 =	rddreg [dreg:$0x0]  }
0x2: {  	s4 =	rddreg [dreg:$0x1]  }
0x3: {  	s0 =	rddreg [dreg:$0x2]  }
0x4: {  	s5 =	srdreg.scid;
	s1 =	stileid.u32  }
0x5: {  	s3 =	simm.s32 $0x0;
	s9 =	simm.s32 $0x1;
	s11 =	simm.s32 $0x5E00  }
0x6: {  	s12 =	simm.s32 $0x0;
	s5 =	sand.u32 $0x1, s5;
	s6 =	sshll.u32 s1, $0x1  }
0x7: {  	[smem:$0x7FF] =	sst s3;
	s6 =	sor.u32 s5, s6;
	s5 =	ssub.s32 $0x2, s5  }
0x8: {  	_ =	strace $0x80000047;
	s7 =	sshll.u32 s6, $0xA;
	s8 =	sshrl.u32 s5, $0x1  }
0x9: {  	s10 =	sshll.u32 s6, $0x4;
	s7 =	sadd.s32 s7, s4;
	s8 =	ssub.s32 s5, s8  }
0xa: {  	s4 =	sadd.s32 $0x10, s2;
	v0 =	vmov s10;
	s10 =	simm.s32 $0x2F00;
	s5 =	sadd.s32 $0x4800, s7  }
0xb: {  	v1 =	vimm.f32 $0.0e+00;
	s6 =	smax.u32 s8, $0x1;
	s7 =	simm.s32 $0x80;
	s8 =	simm.s32 $0x100  }
.LBB2_1:
0xc: {  	[tilespmem:s3], [sflag:$0x1] =	stream.strided.gather [hbm4b:s2+s7], $0x2F00, s8, s7, $0x38;
	[tilespmem:$0x7E00] =	vst v63  }
0xd: {  	_ =	swait.ge [sflag:s9], $0x2F00  }
0xe: {  	[sflag:s9] =	ssyncset.done $0x0  }
0xf: {  	[sflag:s9] =	ssyncadd.s32 $0xFFFFD100  }
0x10: {  	[tilespmem:s10], [sflag:$0x1] =	stream.strided.gather [hbm4b:s4+s7], $0x2F00, s8, s7, $0x38;
	[tilespmem:$0x7E00] =	vst v63  }
0x11: {  	_ =	swait.ge [sflag:s9], $0x2F00  }
0x12: {  	[sflag:s9] =	ssyncset.done $0x0  }
0x13: {  	s13 =	simm.s32 $0x0;
	[sflag:s9] =	ssyncadd.s32 $0xFFFFD100  }
.LBB2_2:
0x14: {  	p0 =	sne.s32 s13, $0x7FC0  }
.Ltmp0:
0x15: {  	_ = 	snop;
	(pc) =	sbr.rel @p0 .LBB2_2-.Ltmp0, $3  }
0x16: {  	_ =	sdelay $0x1  }
0x17: {  	s14 =	sshra.s32 s13, $0x2  }
0x18: {  	s13 =	sadd.s32 $0x40, s13;
	[tilespmem:s14+$0x5E00] =	vst v1  }
0x19: {  	s14 =	simm.s32 $0x0;
	s13 =	simm.s32 $0x40  }
.LBB2_4:
0x1a: {  	p0 =	sne.s32 s13, $0xBB40;
	v2 =	vld [tilespmem:s14+$0x2F00];
	_ =	sdelay $0x1  }
0x1b: {  	v3 =	vld [tilespmem:s14+$0x0];
	_ =	sdelay $0x2  }
0x1c: {  	v2 =	vsub.s32 v2, v0  }
0x1d: {  	v4 =	vshll.u32 v2, $0x9  }
0x1e: {  	vm0 =	vlt.u32 v2, $0x10;
	v2 =	vadd.s32 v3, v4  }
0x1f: {  	v2 =	vnsel vm0, $0x0, v2  }
.Ltmp1:
0x20: {  	(pc) =	sbr.rel @p0 .LBB2_4-.Ltmp1, $3  }
0x21: {  	_ =	sdelay $0x1  }
0x22: {  	v3 =	vsel vm0, $0x3F800000, v1  }
0x23: {  	s14 =	sshra.s32 s13, $0x2;
	s13 =	sadd.s32 $0x40, s13;
	[tilespmem:v2+s11+$0x0] =	vst.idx.add.f32.msk $0xffff, v3  }
0x24: {  	v2 =	vld [tilespmem:s14+$0x2F00];
	_ =	sdelay $0x1  }
0x25: {  	v3 =	vld [tilespmem:s14+$0x0];
	_ =	sdelay $0x2  }
0x26: {  	v2 =	vsub.s32 v2, v0  }
0x27: {  	v4 =	vshll.u32 v2, $0x9  }
0x28: {  	vm0 =	vlt.u32 v2, $0x10;
	v2 =	vadd.s32 v3, v4  }
0x29: {  	v2 =	vnsel vm0, $0x0, v2;
	_ =	sdelay $0x2  }
0x2a: {  	s12 =	sadd.s32 $0x1, s12  }
0x2b: {  	p0 =	sne.s32 s12, s6;
	v3 =	vsel vm0, $0x3F800000, v1  }
.Ltmp2:
0x2c: {  	[tilespmem:v2+s11+$0x0] =	vst.idx.add.f32.msk $0xffff, v3;
	(pc) =	sbr.rel @p0 .LBB2_1-.Ltmp2, $4  }
0x2d: {  	[hbm4b:s5+s3] =	stream.linear.scatter [tilespmem:s11], [sflag:$0x1], $0x2000, $0x38;
	[tilespmem:$0x7E00] =	vst v63  }
0x2e: {  	_ =	swait.ge [sflag:s9], $0x2000  }
0x2f: {  	[sflag:s9] =	ssyncset.done $0x0  }
0x30: {  	[sflag:s9] =	ssyncadd.s32 $0xFFFFE000  }
0x31: {  	_ =	sfence.sel $0x180000  }
0x32: {  	[bflag:$0x0] =	sbarrier.arrive $0xFFFF  }
0x33: {  	p0 =	sne.s32 s1, $0x0;
	_ =	strace $0x90000047  }
0x34: {  	s0 =	sadd.s32 @!p0 $0x100000, s0;
	[bflag:$0x2] =	sbarrier.arrive $0xFFFF  }
0x35: {  	[sflag:s0] =	ssyncadd.tile.s32 @!p0 $0x1;
	_ =	shalt  }
.Lfunc_end2:
_tile_overlayer_lowered:
.L_overlay_start_2:
0x36: {  	(tag) =	ssettag $0x2  }
0x37: {  	s0 =	rddreg [dreg:$0x0];
	s2 =	stileid.u32  }
0x38: {  	s1 =	rddreg [dreg:$0x1];
	p0 =	sne.s32 s2, $0x0  }
0x39: {  	s3 =	rddreg [dreg:$0x2];
	[bflag:$0x3] =	sbarrier.arrive $0xFFFF;
	s2 =	simm.s32 @!p0 $0x1C01  }
0x3a: {  	[timem:s3], [sflag:s2] =	dma.local @!p0 [hbm:s0], s1  }
0x3b: {  	s0 =	simm.s32 @!p0 $0x1  }
0x3c: {  	_ =	swait.ge @!p0 [sflag:s0], s1  }
0x3d: {  	s1 =	ssub.s32 @!p0 $0x0, s1;
	[sflag:s0] =	ssyncset.done @!p0 $0x0  }
0x3e: {  	[sflag:s0] =	ssyncadd.s32 @!p0 s1  }
0x3f: {  	[bflag:$0x3] =	sbarrier.arrive $0xFFFF  }
0x40: {  	_ =	shalt  }

</sc_bundles>
